<compile_context>
chip_gen: v7x
topology: tpu7x:2x2x1
jax: 0.10.2.dev20260603
libtpu: 0.0.44.dev20260713+nightly
codegen_flags: <defaults>
</compile_context>

<pallas_src>
import functools

import jax
import jax.numpy as jnp
from jax import lax
from jax.experimental import pallas as pl
from jax.experimental.pallas import tpu as pltpu
from jax.experimental.pallas import tpu_sc as plsc

V, E, NCLS, B, S = 1000, 64, 10, 4096, 200
NC, NS, L = 2, 16, 16
NW = NC * NS
BPW = B // NW
NFULL = S // L
NREM = S - NFULL * L
EW = L
OW = E // 2
CG = 32
RPB = 128 // CG

_mesh = plsc.VectorSubcoreMesh(
    core_axis_name="c", subcore_axis_name="s", num_cores=2)


def _bcast_lane(vec, j):
    return lax.gather(
        vec,
        jnp.full((L, 1), j, jnp.int32),
        lax.GatherDimensionNumbers(
            offset_dims=(), collapsed_slice_dims=(0,), start_index_map=(0,)),
        (1,),
        mode=lax.GatherScatterMode.PROMISE_IN_BOUNDS,
    )


@functools.partial(
    pl.kernel,
    out_type=jax.ShapeDtypeStruct((B * OW,), jnp.int32),
    mesh=_mesh,
    scratch_types=[
        pltpu.VMEM((BPW * S + L - NREM,), jnp.int32),
        pltpu.VMEM((V * EW,), jnp.int32),
        pltpu.VMEM((V * EW,), jnp.int32),
        pltpu.VMEM((BPW * OW,), jnp.int32),
    ],
    compiler_params=pltpu.CompilerParams(needs_layout_passes=False),
)
def _pool_sc(idx_hbm, ta_hbm, tb_hbm, out_hbm, idx_v, ta_v, tb_v, out_v):
    wid = lax.axis_index("s") * NC + lax.axis_index("c")
    base = wid * BPW
    pltpu.sync_copy(ta_hbm, ta_v)
    pltpu.sync_copy(tb_hbm, tb_v)
    pltpu.sync_copy(idx_hbm.at[pl.ds(base * S, BPW * S)],
                    idx_v.at[pl.ds(0, BPW * S)])
    lanes = lax.iota(jnp.int32, L)
    ninf = jnp.full((2 * L,), -jnp.inf, jnp.bfloat16)

    def gather_max(idxs, j, aa, ab):
        addr = _bcast_lane(idxs, j) + lanes
        wa = plsc.bitcast(plsc.load_gather(ta_v, [addr]), jnp.bfloat16)
        wb = plsc.bitcast(plsc.load_gather(tb_v, [addr]), jnp.bfloat16)
        return jnp.maximum(aa, wa), jnp.maximum(ab, wb)

    def row_body(row, _):
        def chunk_body(c, accs):
            idxs = idx_v[pl.ds(row * S + c * L, L)] * EW
            a0, b0, a1, b1 = accs
            for j in range(0, L, 2):
                a0, b0 = gather_max(idxs, j, a0, b0)
                a1, b1 = gather_max(idxs, j + 1, a1, b1)
            return (a0, b0, a1, b1)

        a0, b0, a1, b1 = lax.fori_loop(
            0, NFULL, chunk_body, (ninf, ninf, ninf, ninf))
        idxs = idx_v[pl.ds(row * S + NFULL * L, L)] * EW
        for j in range(0, NREM, 2):
            a0, b0 = gather_max(idxs, j, a0, b0)
            a1, b1 = gather_max(idxs, j + 1, a1, b1)
        aa, ab = jnp.maximum(a0, a1), jnp.maximum(b0, b1)
        out_v[pl.ds(row * OW, L)] = plsc.bitcast(aa, jnp.int32)
        out_v[pl.ds(row * OW + L, L)] = plsc.bitcast(ab, jnp.int32)
        return 0

    lax.fori_loop(0, BPW, row_body, 0)
    pltpu.sync_copy(out_v, out_hbm.at[pl.ds(base * OW, BPW * OW)])


BLKR = 256


def _dense_tc(x_ref, we_ref, wo_ref, s_ref, b_ref, o_ref):
    w = x_ref[...]
    xe = lax.bitcast_convert_type(w << 16, jnp.float32)
    xo = lax.bitcast_convert_type(
        w & jnp.int32(-65536), jnp.float32)
    logits = (jnp.dot(xe, we_ref[...], preferred_element_type=jnp.float32)
              + jnp.dot(xo, wo_ref[...], preferred_element_type=jnp.float32)
              + b_ref[...])
    e = jnp.exp(logits)
    s = jnp.dot(e, s_ref[...], preferred_element_type=jnp.float32,
                precision=lax.Precision.HIGHEST)
    o_ref[...] = e / s


_dense_call = pl.pallas_call(
    _dense_tc,
    grid=(B * OW // 128 // BLKR,),
    in_specs=[
        pl.BlockSpec((BLKR, 128), lambda i: (i, 0)),
        pl.BlockSpec((128, 128), lambda i: (0, 0)),
        pl.BlockSpec((128, 128), lambda i: (0, 0)),
        pl.BlockSpec((128, 128), lambda i: (0, 0)),
        pl.BlockSpec((1, 128), lambda i: (0, 0)),
    ],
    out_specs=pl.BlockSpec((BLKR, 128), lambda i: (i, 0)),
    out_shape=jax.ShapeDtypeStruct((B * OW // 128, 128), jnp.float32),
)


def kernel(indices, table, W, b):
    tp = lax.bitcast_convert_type(
        table.astype(jnp.bfloat16).reshape(V, 2, EW, 2), jnp.int32)
    ta = tp[:, 0].reshape(-1)
    tb = tp[:, 1].reshape(-1)
    pooled = _pool_sc(indices.reshape(-1), ta, tb)
    w_e = jnp.kron(jnp.eye(RPB, dtype=jnp.float32),
                   jnp.pad(W[0::2], ((0, 0), (0, CG - NCLS))))
    w_o = jnp.kron(jnp.eye(RPB, dtype=jnp.float32),
                   jnp.pad(W[1::2], ((0, 0), (0, CG - NCLS))))
    s_bd = jnp.kron(jnp.eye(RPB, dtype=jnp.float32),
                    jnp.ones((CG, CG), jnp.float32))
    b_bd = jnp.tile(jnp.concatenate(
        [b, jnp.full((CG - NCLS,), -1e30, jnp.float32)]), RPB).reshape(1, 128)
    probs = _dense_call(pooled.reshape(B * OW // 128, 128),
                        w_e, w_o, s_bd, b_bd)
    return probs.reshape(B // RPB, RPB, CG)[:, :, :NCLS].reshape(B, NCLS)

# --- scband reference (transcript-rebuilt; emitter-appended) ---
"""Pipeline reference for scband-xswem-13726715478295 (READ-ONLY COPY).

The authoritative reference and input builder live on the scoring server;
editing this copy changes nothing except your own understanding.
"""

import jax, jax.numpy as jnp
import numpy as np

VOCAB = 1000
EMBED = 64
NCLASS = 10
BATCH = 4096
SEQ = 200


def setup_inputs(seed: int = 0):
    key = jax.random.key(seed)
    k1, k2, k3 = jax.random.split(key, 3)
    indices = jax.random.randint(k1, (BATCH, SEQ), 0, VOCAB, dtype=jnp.int32)
    table = jax.random.normal(k2, (VOCAB, EMBED), dtype=jnp.float32) * 0.05
    W = jax.random.normal(k3, (EMBED, NCLASS), dtype=jnp.float32) * (1.0 / np.sqrt(EMBED))
    b = jnp.zeros((NCLASS,), dtype=jnp.float32)
    return {"indices": indices, "table": table, "W": W, "b": b}


def reference(indices, table, W, b):
    # XSWEM forward: embedding lookup -> global max pool over time -> dense softmax
    emb = jnp.take(table, indices, axis=0)          # [B, S, E] gather (SparseCore embedding lookup)
    pooled = jnp.max(emb, axis=1)                   # GlobalMaxPool1D over sequence axis
    logits = pooled @ W + b                         # Dense output layer
    return jax.nn.softmax(logits, axis=-1)          # output_activation = softmax

if __name__ == "__main__":
    import jax
    _d = setup_inputs()
    print(jax.jit(kernel)(*tuple(_d.values())))

</pallas_src>

<mosaic_0001>
#map = affine_map<(d0, d1) -> (0)>
module attributes {stable_mosaic.version = 14 : i64} {
  func.func @_pool_sc(%arg0: i32, %arg1: i32, %arg2: memref<819200xi32, #tpu.memory_space<hbm>>, %arg3: memref<16000xi32, #tpu.memory_space<hbm>>, %arg4: memref<16000xi32, #tpu.memory_space<hbm>>, %arg5: memref<131072xi32, #tpu.memory_space<hbm>>, %arg6: memref<25608xi32, #tpu.memory_space<vmem>>, %arg7: memref<16000xi32, #tpu.memory_space<vmem>>, %arg8: memref<16000xi32, #tpu.memory_space<vmem>>, %arg9: memref<4096xi32, #tpu.memory_space<vmem>>) attributes {dimension_semantics = [#tpu.dimension_semantics<core_parallel>, #tpu.dimension_semantics<subcore_parallel>], iteration_bounds = array<i64: 2, 16>, scalar_prefetch = 0 : i64, scratch_operands = 4 : i64, tpu.core_type = #tpu.core_type<sc_vector_subcore>, window_params = [{transform_indices = #map}, {transform_indices = #map}, {transform_indices = #map}, {transform_indices = #map}]} {
    %mul3A = arith.constant 2 : i32
    %mul3A_0 = arith.muli %arg1, %mul3A : i32
    %add3A = arith.addi %mul3A_0, %arg0 : i32
    %mul3A_1 = arith.constant 128 : i32
    %mul3A_2 = arith.muli %add3A, %mul3A_1 : i32
    "tpu.region"() ({
      %run_scoped3A = tpu.sem_alloc : memref<!tpu.dma_semaphore, #tpu.memory_space<semaphore_mem>>
      tpu.enqueue_dma source(%arg3 : memref<16000xi32, #tpu.memory_space<hbm>>) target(%arg7 : memref<16000xi32, #tpu.memory_space<vmem>>) target_semaphore(%run_scoped3A : memref<!tpu.dma_semaphore, #tpu.memory_space<semaphore_mem>>)
      tpu.wait_dma2 semaphore(%run_scoped3A : memref<!tpu.dma_semaphore, #tpu.memory_space<semaphore_mem>>) src(%arg3 : memref<16000xi32, #tpu.memory_space<hbm>>) dst(%arg7 : memref<16000xi32, #tpu.memory_space<vmem>>)
      tpu.yield
    }) : () -> ()
    "tpu.region"() ({
      %run_scoped3A = tpu.sem_alloc : memref<!tpu.dma_semaphore, #tpu.memory_space<semaphore_mem>>
      tpu.enqueue_dma source(%arg4 : memref<16000xi32, #tpu.memory_space<hbm>>) target(%arg8 : memref<16000xi32, #tpu.memory_space<vmem>>) target_semaphore(%run_scoped3A : memref<!tpu.dma_semaphore, #tpu.memory_space<semaphore_mem>>)
      tpu.wait_dma2 semaphore(%run_scoped3A : memref<!tpu.dma_semaphore, #tpu.memory_space<semaphore_mem>>) src(%arg4 : memref<16000xi32, #tpu.memory_space<hbm>>) dst(%arg8 : memref<16000xi32, #tpu.memory_space<vmem>>)
      tpu.yield
    }) : () -> ()
    %mul3A_3 = arith.constant 200 : i32
    %mul3A_4 = arith.muli %mul3A_2, %mul3A_3 : i32
    "tpu.region"() ({
      %run_scoped3A = tpu.sem_alloc : memref<!tpu.dma_semaphore, #tpu.memory_space<semaphore_mem>>
      %dma_start3A = arith.constant 0 : i32
      %dma_start3A_14 = tpu.memref_slice %arg6[%dma_start3A] : memref<25608xi32, #tpu.memory_space<vmem>> -> memref<25600xi32, #tpu.memory_space<vmem>>
      %dma_start3A_15 = tpu.memref_slice %arg2[%mul3A_4] : memref<819200xi32, #tpu.memory_space<hbm>> -> memref<25600xi32, #tpu.memory_space<hbm>>
      %dma_start3A_16 = arith.constant 0 : i32
      %dma_start3A_17 = tpu.memref_slice %arg6[%dma_start3A_16] : memref<25608xi32, #tpu.memory_space<vmem>> -> memref<25600xi32, #tpu.memory_space<vmem>>
      %dma_start3A_18 = tpu.memref_slice %arg2[%mul3A_4] : memref<819200xi32, #tpu.memory_space<hbm>> -> memref<25600xi32, #tpu.memory_space<hbm>>
      tpu.enqueue_dma source(%dma_start3A_18 : memref<25600xi32, #tpu.memory_space<hbm>>) target(%dma_start3A_17 : memref<25600xi32, #tpu.memory_space<vmem>>) target_semaphore(%run_scoped3A : memref<!tpu.dma_semaphore, #tpu.memory_space<semaphore_mem>>)
      %dma_wait3A = arith.constant 0 : i32
      %dma_wait3A_19 = tpu.memref_slice %arg6[%dma_wait3A] : memref<25608xi32, #tpu.memory_space<vmem>> -> memref<25600xi32, #tpu.memory_space<vmem>>
      %dma_wait3A_20 = tpu.memref_slice %arg2[%mul3A_4] : memref<819200xi32, #tpu.memory_space<hbm>> -> memref<25600xi32, #tpu.memory_space<hbm>>
      %dma_wait3A_21 = arith.constant 0 : i32
      %dma_wait3A_22 = tpu.memref_slice %arg6[%dma_wait3A_21] : memref<25608xi32, #tpu.memory_space<vmem>> -> memref<25600xi32, #tpu.memory_space<vmem>>
      %dma_wait3A_23 = tpu.memref_slice %arg2[%mul3A_4] : memref<819200xi32, #tpu.memory_space<hbm>> -> memref<25600xi32, #tpu.memory_space<hbm>>
      tpu.wait_dma2 semaphore(%run_scoped3A : memref<!tpu.dma_semaphore, #tpu.memory_space<semaphore_mem>>) src(%dma_wait3A_23 : memref<25600xi32, #tpu.memory_space<hbm>>) dst(%dma_wait3A_22 : memref<25600xi32, #tpu.memory_space<vmem>>)
      tpu.yield
    }) : () -> ()
    %iota3A = tpu.iota {dimensions = array<i32: 0>} : vector<16xi32>
    %broadcast_in_dim3A = arith.constant 0xFF80 : bf16
    %broadcast_in_dim3A_5 = vector.broadcast %broadcast_in_dim3A : bf16 to vector<32xbf16>
    %scan3A = arith.constant 0 : i32
    %scan3A_6 = arith.constant 0 : i32
    %scan3A_7 = arith.constant 128 : i32
    %scan3A_8 = arith.addi %scan3A_6, %scan3A_7 : i32
    %scan3A_9 = arith.constant 1 : i32
    %scan3A_10 = scf.for %scan3A_14 = %scan3A_6 to %scan3A_8 step %scan3A_9 iter_args(%scan3A_15 = %scan3A) -> (i32)  : i32 {
      %scan3A_16 = arith.constant 0 : i32
      %scan3A_17 = arith.constant 12 : i32
      %scan3A_18 = arith.addi %scan3A_16, %scan3A_17 : i32
      %scan3A_19 = arith.constant 1 : i32
      %scan3A_20:4 = scf.for %scan3A_129 = %scan3A_16 to %scan3A_18 step %scan3A_19 iter_args(%scan3A_130 = %broadcast_in_dim3A_5, %scan3A_131 = %broadcast_in_dim3A_5, %scan3A_132 = %broadcast_in_dim3A_5, %scan3A_133 = %broadcast_in_dim3A_5) -> (vector<32xbf16>, vector<32xbf16>, vector<32xbf16>, vector<32xbf16>)  : i32 {
        %mul3A_134 = arith.constant 200 : i32
        %mul3A_135 = arith.muli %scan3A_14, %mul3A_134 : i32
        %mul3A_136 = arith.constant 16 : i32
        %mul3A_137 = arith.muli %scan3A_129, %mul3A_136 : i32
        %add3A_138 = arith.addi %mul3A_135, %mul3A_137 : i32
        %get3A_139 = arith.index_cast %add3A_138 : i32 to index
        %get3A_140 = tpu.vector_load %arg6[%get3A_139] {strides = array<i32>} : memref<25608xi32, #tpu.memory_space<vmem>>, vector<16xi32>,
        %mul3A_141 = arith.constant 16 : i32
        %mul3A_142 = vector.broadcast %mul3A_141 : i32 to vector<16xi32>
        %mul3A_143 = arith.muli %get3A_140, %mul3A_142 : vector<16xi32>
        %broadcast_in_dim3A_144 = arith.constant 0 : i32
        %broadcast_in_dim3A_145 = vector.broadcast %broadcast_in_dim3A_144 : i32 to vector<16x1xi32>
        %gather3A_146 = vector.shape_cast %broadcast_in_dim3A_145 : vector<16x1xi32> to vector<16xi32>
        %gather3A_147 = tpu.dynamic_gather %mul3A_143[%gather3A_146] in [0] : vector<16xi32>, vector<16xi32> -> vector<16xi32>
        %add3A_148 = arith.addi %gather3A_147, %iota3A : vector<16xi32>
        %gather3A_149 = tpu.vector_load_idx %arg7[%add3A_148] : memref<16000xi32, #tpu.memory_space<vmem>>[vector<16xi32>], vector<16xi32>,
        %bitcast3A_150 = vector.bitcast %gather3A_149 : vector<16xi32> to vector<32xbf16>
        %gather3A_151 = tpu.vector_load_idx %arg8[%add3A_148] : memref<16000xi32, #tpu.memory_space<vmem>>[vector<16xi32>], vector<16xi32>,
        %bitcast3A_152 = vector.bitcast %gather3A_151 : vector<16xi32> to vector<32xbf16>
        %max3A_153 = arith.maximumf %scan3A_130, %bitcast3A_150 : vector<32xbf16>
        %max3A_154 = arith.maximumf %scan3A_131, %bitcast3A_152 : vector<32xbf16>
        %broadcast_in_dim3A_155 = arith.constant 1 : i32
        %broadcast_in_dim3A_156 = vector.broadcast %broadcast_in_dim3A_155 : i32 to vector<16x1xi32>
        %gather3A_157 = vector.shape_cast %broadcast_in_dim3A_156 : vector<16x1xi32> to vector<16xi32>
        %gather3A_158 = tpu.dynamic_gather %mul3A_143[%gather3A_157] in [0] : vector<16xi32>, vector<16xi32> -> vector<16xi32>
        %add3A_159 = arith.addi %gather3A_158, %iota3A : vector<16xi32>
        %gather3A_160 = tpu.vector_load_idx %arg7[%add3A_159] : memref<16000xi32, #tpu.memory_space<vmem>>[vector<16xi32>], vector<16xi32>,
        %bitcast3A_161 = vector.bitcast %gather3A_160 : vector<16xi32> to vector<32xbf16>
        %gather3A_162 = tpu.vector_load_idx %arg8[%add3A_159] : memref<16000xi32, #tpu.memory_space<vmem>>[vector<16xi32>], vector<16xi32>,
        %bitcast3A_163 = vector.bitcast %gather3A_162 : vector<16xi32> to vector<32xbf16>
        %max3A_164 = arith.maximumf %scan3A_132, %bitcast3A_161 : vector<32xbf16>
        %max3A_165 = arith.maximumf %scan3A_133, %bitcast3A_163 : vector<32xbf16>
        %broadcast_in_dim3A_166 = arith.constant 2 : i32
        %broadcast_in_dim3A_167 = vector.broadcast %broadcast_in_dim3A_166 : i32 to vector<16x1xi32>
        %gather3A_168 = vector.shape_cast %broadcast_in_dim3A_167 : vector<16x1xi32> to vector<16xi32>
        %gather3A_169 = tpu.dynamic_gather %mul3A_143[%gather3A_168] in [0] : vector<16xi32>, vector<16xi32> -> vector<16xi32>
        %add3A_170 = arith.addi %gather3A_169, %iota3A : vector<16xi32>
        %gather3A_171 = tpu.vector_load_idx %arg7[%add3A_170] : memref<16000xi32, #tpu.memory_space<vmem>>[vector<16xi32>], vector<16xi32>,
        %bitcast3A_172 = vector.bitcast %gather3A_171 : vector<16xi32> to vector<32xbf16>
        %gather3A_173 = tpu.vector_load_idx %arg8[%add3A_170] : memref<16000xi32, #tpu.memory_space<vmem>>[vector<16xi32>], vector<16xi32>,
        %bitcast3A_174 = vector.bitcast %gather3A_173 : vector<16xi32> to vector<32xbf16>
        %max3A_175 = arith.maximumf %max3A_153, %bitcast3A_172 : vector<32xbf16>
        %max3A_176 = arith.maximumf %max3A_154, %bitcast3A_174 : vector<32xbf16>
        %broadcast_in_dim3A_177 = arith.constant 3 : i32
        %broadcast_in_dim3A_178 = vector.broadcast %broadcast_in_dim3A_177 : i32 to vector<16x1xi32>
        %gather3A_179 = vector.shape_cast %broadcast_in_dim3A_178 : vector<16x1xi32> to vector<16xi32>
        %gather3A_180 = tpu.dynamic_gather %mul3A_143[%gather3A_179] in [0] : vector<16xi32>, vector<16xi32> -> vector<16xi32>
        %add3A_181 = arith.addi %gather3A_180, %iota3A : vector<16xi32>
        %gather3A_182 = tpu.vector_load_idx %arg7[%add3A_181] : memref<16000xi32, #tpu.memory_space<vmem>>[vector<16xi32>], vector<16xi32>,
        %bitcast3A_183 = vector.bitcast %gather3A_182 : vector<16xi32> to vector<32xbf16>
        %gather3A_184 = tpu.vector_load_idx %arg8[%add3A_181] : memref<16000xi32, #tpu.memory_space<vmem>>[vector<16xi32>], vector<16xi32>,
        %bitcast3A_185 = vector.bitcast %gather3A_184 : vector<16xi32> to vector<32xbf16>
        %max3A_186 = arith.maximumf %max3A_164, %bitcast3A_183 : vector<32xbf16>
        %max3A_187 = arith.maximumf %max3A_165, %bitcast3A_185 : vector<32xbf16>
        %broadcast_in_dim3A_188 = arith.constant 4 : i32
        %broadcast_in_dim3A_189 = vector.broadcast %broadcast_in_dim3A_188 : i32 to vector<16x1xi32>
        %gather3A_190 = vector.shape_cast %broadcast_in_dim3A_189 : vector<16x1xi32> to vector<16xi32>
        %gather3A_191 = tpu.dynamic_gather %mul3A_143[%gather3A_190] in [0] : vector<16xi32>, vector<16xi32> -> vector<16xi32>
        %add3A_192 = arith.addi %gather3A_191, %iota3A : vector<16xi32>
        %gather3A_193 = tpu.vector_load_idx %arg7[%add3A_192] : memref<16000xi32, #tpu.memory_space<vmem>>[vector<16xi32>], vector<16xi32>,
        %bitcast3A_194 = vector.bitcast %gather3A_193 : vector<16xi32> to vector<32xbf16>
        %gather3A_195 = tpu.vector_load_idx %arg8[%add3A_192] : memref<16000xi32, #tpu.memory_space<vmem>>[vector<16xi32>], vector<16xi32>,
        %bitcast3A_196 = vector.bitcast %gather3A_195 : vector<16xi32> to vector<32xbf16>
        %max3A_197 = arith.maximumf %max3A_175, %bitcast3A_194 : vector<32xbf16>
        %max3A_198 = arith.maximumf %max3A_176, %bitcast3A_196 : vector<32xbf16>
        %broadcast_in_dim3A_199 = arith.constant 5 : i32
        %broadcast_in_dim3A_200 = vector.broadcast %broadcast_in_dim3A_199 : i32 to vector<16x1xi32>
        %gather3A_201 = vector.shape_cast %broadcast_in_dim3A_200 : vector<16x1xi32> to vector<16xi32>
        %gather3A_202 = tpu.dynamic_gather %mul3A_143[%gather3A_201] in [0] : vector<16xi32>, vector<16xi32> -> vector<16xi32>
        %add3A_203 = arith.addi %gather3A_202, %iota3A : vector<16xi32>
        %gather3A_204 = tpu.vector_load_idx %arg7[%add3A_203] : memref<16000xi32, #tpu.memory_space<vmem>>[vector<16xi32>], vector<16xi32>,
        %bitcast3A_205 = vector.bitcast %gather3A_204 : vector<16xi32> to vector<32xbf16>
        %gather3A_206 = tpu.vector_load_idx %arg8[%add3A_203] : memref<16000xi32, #tpu.memory_space<vmem>>[vector<16xi32>], vector<16xi32>,
        %bitcast3A_207 = vector.bitcast %gather3A_206 : vector<16xi32> to vector<32xbf16>
        %max3A_208 = arith.maximumf %max3A_186, %bitcast3A_205 : vector<32xbf16>
        %max3A_209 = arith.maximumf %max3A_187, %bitcast3A_207 : vector<32xbf16>
        %broadcast_in_dim3A_210 = arith.constant 6 : i32
        %broadcast_in_dim3A_211 = vector.broadcast %broadcast_in_dim3A_210 : i32 to vector<16x1xi32>
        %gather3A_212 = vector.shape_cast %broadcast_in_dim3A_211 : vector<16x1xi32> to vector<16xi32>
        %gather3A_213 = tpu.dynamic_gather %mul3A_143[%gather3A_212] in [0] : vector<16xi32>, vector<16xi32> -> vector<16xi32>
        %add3A_214 = arith.addi %gather3A_213, %iota3A : vector<16xi32>
        %gather3A_215 = tpu.vector_load_idx %arg7[%add3A_214] : memref<16000xi32, #tpu.memory_space<vmem>>[vector<16xi32>], vector<16xi32>,
        %bitcast3A_216 = vector.bitcast %gather3A_215 : vector<16xi32> to vector<32xbf16>
        %gather3A_217 = tpu.vector_load_idx %arg8[%add3A_214] : memref<16000xi32, #tpu.memory_space<vmem>>[vector<16xi32>], vector<16xi32>,
        %bitcast3A_218 = vector.bitcast %gather3A_217 : vector<16xi32> to vector<32xbf16>
        %max3A_219 = arith.maximumf %max3A_197, %bitcast3A_216 : vector<32xbf16>
        %max3A_220 = arith.maximumf %max3A_198, %bitcast3A_218 : vector<32xbf16>
        %broadcast_in_dim3A_221 = arith.constant 7 : i32
        %broadcast_in_dim3A_222 = vector.broadcast %broadcast_in_dim3A_221 : i32 to vector<16x1xi32>
        %gather3A_223 = vector.shape_cast %broadcast_in_dim3A_222 : vector<16x1xi32> to vector<16xi32>
        %gather3A_224 = tpu.dynamic_gather %mul3A_143[%gather3A_223] in [0] : vector<16xi32>, vector<16xi32> -> vector<16xi32>
        %add3A_225 = arith.addi %gather3A_224, %iota3A : vector<16xi32>
        %gather3A_226 = tpu.vector_load_idx %arg7[%add3A_225] : memref<16000xi32, #tpu.memory_space<vmem>>[vector<16xi32>], vector<16xi32>,
        %bitcast3A_227 = vector.bitcast %gather3A_226 : vector<16xi32> to vector<32xbf16>
        %gather3A_228 = tpu.vector_load_idx %arg8[%add3A_225] : memref<16000xi32, #tpu.memory_space<vmem>>[vector<16xi32>], vector<16xi32>,
        %bitcast3A_229 = vector.bitcast %gather3A_228 : vector<16xi32> to vector<32xbf16>
        %max3A_230 = arith.maximumf %max3A_208, %bitcast3A_227 : vector<32xbf16>
        %max3A_231 = arith.maximumf %max3A_209, %bitcast3A_229 : vector<32xbf16>
        %broadcast_in_dim3A_232 = arith.constant 8 : i32
        %broadcast_in_dim3A_233 = vector.broadcast %broadcast_in_dim3A_232 : i32 to vector<16x1xi32>
        %gather3A_234 = vector.shape_cast %broadcast_in_dim3A_233 : vector<16x1xi32> to vector<16xi32>
        %gather3A_235 = tpu.dynamic_gather %mul3A_143[%gather3A_234] in [0] : vector<16xi32>, vector<16xi32> -> vector<16xi32>
        %add3A_236 = arith.addi %gather3A_235, %iota3A : vector<16xi32>
        %gather3A_237 = tpu.vector_load_idx %arg7[%add3A_236] : memref<16000xi32, #tpu.memory_space<vmem>>[vector<16xi32>], vector<16xi32>,
        %bitcast3A_238 = vector.bitcast %gather3A_237 : vector<16xi32> to vector<32xbf16>
        %gather3A_239 = tpu.vector_load_idx %arg8[%add3A_236] : memref<16000xi32, #tpu.memory_space<vmem>>[vector<16xi32>], vector<16xi32>,
        %bitcast3A_240 = vector.bitcast %gather3A_239 : vector<16xi32> to vector<32xbf16>
        %max3A_241 = arith.maximumf %max3A_219, %bitcast3A_238 : vector<32xbf16>
        %max3A_242 = arith.maximumf %max3A_220, %bitcast3A_240 : vector<32xbf16>
        %broadcast_in_dim3A_243 = arith.constant 9 : i32
        %broadcast_in_dim3A_244 = vector.broadcast %broadcast_in_dim3A_243 : i32 to vector<16x1xi32>
        %gather3A_245 = vector.shape_cast %broadcast_in_dim3A_244 : vector<16x1xi32> to vector<16xi32>
        %gather3A_246 = tpu.dynamic_gather %mul3A_143[%gather3A_245] in [0] : vector<16xi32>, vector<16xi32> -> vector<16xi32>
        %add3A_247 = arith.addi %gather3A_246, %iota3A : vector<16xi32>
        %gather3A_248 = tpu.vector_load_idx %arg7[%add3A_247] : memref<16000xi32, #tpu.memory_space<vmem>>[vector<16xi32>], vector<16xi32>,
        %bitcast3A_249 = vector.bitcast %gather3A_248 : vector<16xi32> to vector<32xbf16>
        %gather3A_250 = tpu.vector_load_idx %arg8[%add3A_247] : memref<16000xi32, #tpu.memory_space<vmem>>[vector<16xi32>], vector<16xi32>,
        %bitcast3A_251 = vector.bitcast %gather3A_250 : vector<16xi32> to vector<32xbf16>
        %max3A_252 = arith.maximumf %max3A_230, %bitcast3A_249 : vector<32xbf16>
        %max3A_253 = arith.maximumf %max3A_231, %bitcast3A_251 : vector<32xbf16>
        %broadcast_in_dim3A_254 = arith.constant 10 : i32
        %broadcast_in_dim3A_255 = vector.broadcast %broadcast_in_dim3A_254 : i32 to vector<16x1xi32>
        %gather3A_256 = vector.shape_cast %broadcast_in_dim3A_255 : vector<16x1xi32> to vector<16xi32>
        %gather3A_257 = tpu.dynamic_gather %mul3A_143[%gather3A_256] in [0] : vector<16xi32>, vector<16xi32> -> vector<16xi32>
        %add3A_258 = arith.addi %gather3A_257, %iota3A : vector<16xi32>
        %gather3A_259 = tpu.vector_load_idx %arg7[%add3A_258] : memref<16000xi32, #tpu.memory_space<vmem>>[vector<16xi32>], vector<16xi32>,
        %bitcast3A_260 = vector.bitcast %gather3A_259 : vector<16xi32> to vector<32xbf16>
        %gather3A_261 = tpu.vector_load_idx %arg8[%add3A_258] : memref<16000xi32, #tpu.memory_space<vmem>>[vector<16xi32>], vector<16xi32>,
        %bitcast3A_262 = vector.bitcast %gather3A_261 : vector<16xi32> to vector<32xbf16>
        %max3A_263 = arith.maximumf %max3A_241, %bitcast3A_260 : vector<32xbf16>
        %max3A_264 = arith.maximumf %max3A_242, %bitcast3A_262 : vector<32xbf16>
        %broadcast_in_dim3A_265 = arith.constant 11 : i32
        %broadcast_in_dim3A_266 = vector.broadcast %broadcast_in_dim3A_265 : i32 to vector<16x1xi32>
        %gather3A_267 = vector.shape_cast %broadcast_in_dim3A_266 : vector<16x1xi32> to vector<16xi32>
        %gather3A_268 = tpu.dynamic_gather %mul3A_143[%gather3A_267] in [0] : vector<16xi32>, vector<16xi32> -> vector<16xi32>
        %add3A_269 = arith.addi %gather3A_268, %iota3A : vector<16xi32>
        %gather3A_270 = tpu.vector_load_idx %arg7[%add3A_269] : memref<16000xi32, #tpu.memory_space<vmem>>[vector<16xi32>], vector<16xi32>,
        %bitcast3A_271 = vector.bitcast %gather3A_270 : vector<16xi32> to vector<32xbf16>
        %gather3A_272 = tpu.vector_load_idx %arg8[%add3A_269] : memref<16000xi32, #tpu.memory_space<vmem>>[vector<16xi32>], vector<16xi32>,
        %bitcast3A_273 = vector.bitcast %gather3A_272 : vector<16xi32> to vector<32xbf16>
        %max3A_274 = arith.maximumf %max3A_252, %bitcast3A_271 : vector<32xbf16>
        %max3A_275 = arith.maximumf %max3A_253, %bitcast3A_273 : vector<32xbf16>
        %broadcast_in_dim3A_276 = arith.constant 12 : i32
        %broadcast_in_dim3A_277 = vector.broadcast %broadcast_in_dim3A_276 : i32 to vector<16x1xi32>
        %gather3A_278 = vector.shape_cast %broadcast_in_dim3A_277 : vector<16x1xi32> to vector<16xi32>
        %gather3A_279 = tpu.dynamic_gather %mul3A_143[%gather3A_278] in [0] : vector<16xi32>, vector<16xi32> -> vector<16xi32>
        %add3A_280 = arith.addi %gather3A_279, %iota3A : vector<16xi32>
        %gather3A_281 = tpu.vector_load_idx %arg7[%add3A_280] : memref<16000xi32, #tpu.memory_space<vmem>>[vector<16xi32>], vector<16xi32>,
        %bitcast3A_282 = vector.bitcast %gather3A_281 : vector<16xi32> to vector<32xbf16>
        %gather3A_283 = tpu.vector_load_idx %arg8[%add3A_280] : memref<16000xi32, #tpu.memory_space<vmem>>[vector<16xi32>], vector<16xi32>,
        %bitcast3A_284 = vector.bitcast %gather3A_283 : vector<16xi32> to vector<32xbf16>
        %max3A_285 = arith.maximumf %max3A_263, %bitcast3A_282 : vector<32xbf16>
        %max3A_286 = arith.maximumf %max3A_264, %bitcast3A_284 : vector<32xbf16>
        %broadcast_in_dim3A_287 = arith.constant 13 : i32
        %broadcast_in_dim3A_288 = vector.broadcast %broadcast_in_dim3A_287 : i32 to vector<16x1xi32>
        %gather3A_289 = vector.shape_cast %broadcast_in_dim3A_288 : vector<16x1xi32> to vector<16xi32>
        %gather3A_290 = tpu.dynamic_gather %mul3A_143[%gather3A_289] in [0] : vector<16xi32>, vector<16xi32> -> vector<16xi32>
        %add3A_291 = arith.addi %gather3A_290, %iota3A : vector<16xi32>
        %gather3A_292 = tpu.vector_load_idx %arg7[%add3A_291] : memref<16000xi32, #tpu.memory_space<vmem>>[vector<16xi32>], vector<16xi32>,
        %bitcast3A_293 = vector.bitcast %gather3A_292 : vector<16xi32> to vector<32xbf16>
        %gather3A_294 = tpu.vector_load_idx %arg8[%add3A_291] : memref<16000xi32, #tpu.memory_space<vmem>>[vector<16xi32>], vector<16xi32>,
        %bitcast3A_295 = vector.bitcast %gather3A_294 : vector<16xi32> to vector<32xbf16>
        %max3A_296 = arith.maximumf %max3A_274, %bitcast3A_293 : vector<32xbf16>
        %max3A_297 = arith.maximumf %max3A_275, %bitcast3A_295 : vector<32xbf16>
        %broadcast_in_dim3A_298 = arith.constant 14 : i32
        %broadcast_in_dim3A_299 = vector.broadcast %broadcast_in_dim3A_298 : i32 to vector<16x1xi32>
        %gather3A_300 = vector.shape_cast %broadcast_in_dim3A_299 : vector<16x1xi32> to vector<16xi32>
        %gather3A_301 = tpu.dynamic_gather %mul3A_143[%gather3A_300] in [0] : vector<16xi32>, vector<16xi32> -> vector<16xi32>
        %add3A_302 = arith.addi %gather3A_301, %iota3A : vector<16xi32>
        %gather3A_303 = tpu.vector_load_idx %arg7[%add3A_302] : memref<16000xi32, #tpu.memory_space<vmem>>[vector<16xi32>], vector<16xi32>,
        %bitcast3A_304 = vector.bitcast %gather3A_303 : vector<16xi32> to vector<32xbf16>
        %gather3A_305 = tpu.vector_load_idx %arg8[%add3A_302] : memref<16000xi32, #tpu.memory_space<vmem>>[vector<16xi32>], vector<16xi32>,
        %bitcast3A_306 = vector.bitcast %gather3A_305 : vector<16xi32> to vector<32xbf16>
        %max3A_307 = arith.maximumf %max3A_285, %bitcast3A_304 : vector<32xbf16>
        %max3A_308 = arith.maximumf %max3A_286, %bitcast3A_306 : vector<32xbf16>
        %broadcast_in_dim3A_309 = arith.constant 15 : i32
        %broadcast_in_dim3A_310 = vector.broadcast %broadcast_in_dim3A_309 : i32 to vector<16x1xi32>
        %gather3A_311 = vector.shape_cast %broadcast_in_dim3A_310 : vector<16x1xi32> to vector<16xi32>
        %gather3A_312 = tpu.dynamic_gather %mul3A_143[%gather3A_311] in [0] : vector<16xi32>, vector<16xi32> -> vector<16xi32>
        %add3A_313 = arith.addi %gather3A_312, %iota3A : vector<16xi32>
        %gather3A_314 = tpu.vector_load_idx %arg7[%add3A_313] : memref<16000xi32, #tpu.memory_space<vmem>>[vector<16xi32>], vector<16xi32>,
        %bitcast3A_315 = vector.bitcast %gather3A_314 : vector<16xi32> to vector<32xbf16>
        %gather3A_316 = tpu.vector_load_idx %arg8[%add3A_313] : memref<16000xi32, #tpu.memory_space<vmem>>[vector<16xi32>], vector<16xi32>,
        %bitcast3A_317 = vector.bitcast %gather3A_316 : vector<16xi32> to vector<32xbf16>
        %max3A_318 = arith.maximumf %max3A_296, %bitcast3A_315 : vector<32xbf16>
        %max3A_319 = arith.maximumf %max3A_297, %bitcast3A_317 : vector<32xbf16>
        scf.yield %max3A_307, %max3A_308, %max3A_318, %max3A_319 : vector<32xbf16>, vector<32xbf16>, vector<32xbf16>, vector<32xbf16>
      }
      %scan3A_21 = arith.constant 12 : i32
      %mul3A_22 = arith.constant 200 : i32
      %mul3A_23 = arith.muli %scan3A_14, %mul3A_22 : i32
      %add3A_24 = arith.constant 192 : i32
      %add3A_25 = arith.addi %mul3A_23, %add3A_24 : i32
      %get3A = arith.index_cast %add3A_25 : i32 to index
      %get3A_26 = tpu.vector_load %arg6[%get3A] {strides = array<i32>} : memref<25608xi32, #tpu.memory_space<vmem>>, vector<16xi32>,
      %mul3A_27 = arith.constant 16 : i32
      %mul3A_28 = vector.broadcast %mul3A_27 : i32 to vector<16xi32>
      %mul3A_29 = arith.muli %get3A_26, %mul3A_28 : vector<16xi32>
      %broadcast_in_dim3A_30 = arith.constant 0 : i32
      %broadcast_in_dim3A_31 = vector.broadcast %broadcast_in_dim3A_30 : i32 to vector<16x1xi32>
      %gather3A = vector.shape_cast %broadcast_in_dim3A_31 : vector<16x1xi32> to vector<16xi32>
      %gather3A_32 = tpu.dynamic_gather %mul3A_29[%gather3A] in [0] : vector<16xi32>, vector<16xi32> -> vector<16xi32>
      %add3A_33 = arith.addi %gather3A_32, %iota3A : vector<16xi32>
      %gather3A_34 = tpu.vector_load_idx %arg7[%add3A_33] : memref<16000xi32, #tpu.memory_space<vmem>>[vector<16xi32>], vector<16xi32>,
      %bitcast3A = vector.bitcast %gather3A_34 : vector<16xi32> to vector<32xbf16>
      %gather3A_35 = tpu.vector_load_idx %arg8[%add3A_33] : memref<16000xi32, #tpu.memory_space<vmem>>[vector<16xi32>], vector<16xi32>,
      %bitcast3A_36 = vector.bitcast %gather3A_35 : vector<16xi32> to vector<32xbf16>
      %max3A = arith.maximumf %scan3A_20#0, %bitcast3A : vector<32xbf16>
      %max3A_37 = arith.maximumf %scan3A_20#1, %bitcast3A_36 : vector<32xbf16>
      %broadcast_in_dim3A_38 = arith.constant 1 : i32
      %broadcast_in_dim3A_39 = vector.broadcast %broadcast_in_dim3A_38 : i32 to vector<16x1xi32>
      %gather3A_40 = vector.shape_cast %broadcast_in_dim3A_39 : vector<16x1xi32> to vector<16xi32>
      %gather3A_41 = tpu.dynamic_gather %mul3A_29[%gather3A_40] in [0] : vector<16xi32>, vector<16xi32> -> vector<16xi32>
      %add3A_42 = arith.addi %gather3A_41, %iota3A : vector<16xi32>
      %gather3A_43 = tpu.vector_load_idx %arg7[%add3A_42] : memref<16000xi32, #tpu.memory_space<vmem>>[vector<16xi32>], vector<16xi32>,
      %bitcast3A_44 = vector.bitcast %gather3A_43 : vector<16xi32> to vector<32xbf16>
      %gather3A_45 = tpu.vector_load_idx %arg8[%add3A_42] : memref<16000xi32, #tpu.memory_space<vmem>>[vector<16xi32>], vector<16xi32>,
      %bitcast3A_46 = vector.bitcast %gather3A_45 : vector<16xi32> to vector<32xbf16>
      %max3A_47 = arith.maximumf %scan3A_20#2, %bitcast3A_44 : vector<32xbf16>
      %max3A_48 = arith.maximumf %scan3A_20#3, %bitcast3A_46 : vector<32xbf16>
      %broadcast_in_dim3A_49 = arith.constant 2 : i32
      %broadcast_in_dim3A_50 = vector.broadcast %broadcast_in_dim3A_49 : i32 to vector<16x1xi32>
      %gather3A_51 = vector.shape_cast %broadcast_in_dim3A_50 : vector<16x1xi32> to vector<16xi32>
      %gather3A_52 = tpu.dynamic_gather %mul3A_29[%gather3A_51] in [0] : vector<16xi32>, vector<16xi32> -> vector<16xi32>
      %add3A_53 = arith.addi %gather3A_52, %iota3A : vector<16xi32>
      %gather3A_54 = tpu.vector_load_idx %arg7[%add3A_53] : memref<16000xi32, #tpu.memory_space<vmem>>[vector<16xi32>], vector<16xi32>,
      %bitcast3A_55 = vector.bitcast %gather3A_54 : vector<16xi32> to vector<32xbf16>
      %gather3A_56 = tpu.vector_load_idx %arg8[%add3A_53] : memref<16000xi32, #tpu.memory_space<vmem>>[vector<16xi32>], vector<16xi32>,
      %bitcast3A_57 = vector.bitcast %gather3A_56 : vector<16xi32> to vector<32xbf16>
      %max3A_58 = arith.maximumf %max3A, %bitcast3A_55 : vector<32xbf16>
      %max3A_59 = arith.maximumf %max3A_37, %bitcast3A_57 : vector<32xbf16>
      %broadcast_in_dim3A_60 = arith.constant 3 : i32
      %broadcast_in_dim3A_61 = vector.broadcast %broadcast_in_dim3A_60 : i32 to vector<16x1xi32>
      %gather3A_62 = vector.shape_cast %broadcast_in_dim3A_61 : vector<16x1xi32> to vector<16xi32>
      %gather3A_63 = tpu.dynamic_gather %mul3A_29[%gather3A_62] in [0] : vector<16xi32>, vector<16xi32> -> vector<16xi32>
      %add3A_64 = arith.addi %gather3A_63, %iota3A : vector<16xi32>
      %gather3A_65 = tpu.vector_load_idx %arg7[%add3A_64] : memref<16000xi32, #tpu.memory_space<vmem>>[vector<16xi32>], vector<16xi32>,
      %bitcast3A_66 = vector.bitcast %gather3A_65 : vector<16xi32> to vector<32xbf16>
      %gather3A_67 = tpu.vector_load_idx %arg8[%add3A_64] : memref<16000xi32, #tpu.memory_space<vmem>>[vector<16xi32>], vector<16xi32>,
      %bitcast3A_68 = vector.bitcast %gather3A_67 : vector<16xi32> to vector<32xbf16>
      %max3A_69 = arith.maximumf %max3A_47, %bitcast3A_66 : vector<32xbf16>
      %max3A_70 = arith.maximumf %max3A_48, %bitcast3A_68 : vector<32xbf16>
      %broadcast_in_dim3A_71 = arith.constant 4 : i32
      %broadcast_in_dim3A_72 = vector.broadcast %broadcast_in_dim3A_71 : i32 to vector<16x1xi32>
      %gather3A_73 = vector.shape_cast %broadcast_in_dim3A_72 : vector<16x1xi32> to vector<16xi32>
      %gather3A_74 = tpu.dynamic_gather %mul3A_29[%gather3A_73] in [0] : vector<16xi32>, vector<16xi32> -> vector<16xi32>
      %add3A_75 = arith.addi %gather3A_74, %iota3A : vector<16xi32>
      %gather3A_76 = tpu.vector_load_idx %arg7[%add3A_75] : memref<16000xi32, #tpu.memory_space<vmem>>[vector<16xi32>], vector<16xi32>,
      %bitcast3A_77 = vector.bitcast %gather3A_76 : vector<16xi32> to vector<32xbf16>
      %gather3A_78 = tpu.vector_load_idx %arg8[%add3A_75] : memref<16000xi32, #tpu.memory_space<vmem>>[vector<16xi32>], vector<16xi32>,
      %bitcast3A_79 = vector.bitcast %gather3A_78 : vector<16xi32> to vector<32xbf16>
      %max3A_80 = arith.maximumf %max3A_58, %bitcast3A_77 : vector<32xbf16>
      %max3A_81 = arith.maximumf %max3A_59, %bitcast3A_79 : vector<32xbf16>
      %broadcast_in_dim3A_82 = arith.constant 5 : i32
      %broadcast_in_dim3A_83 = vector.broadcast %broadcast_in_dim3A_82 : i32 to vector<16x1xi32>
      %gather3A_84 = vector.shape_cast %broadcast_in_dim3A_83 : vector<16x1xi32> to vector<16xi32>
      %gather3A_85 = tpu.dynamic_gather %mul3A_29[%gather3A_84] in [0] : vector<16xi32>, vector<16xi32> -> vector<16xi32>
      %add3A_86 = arith.addi %gather3A_85, %iota3A : vector<16xi32>
      %gather3A_87 = tpu.vector_load_idx %arg7[%add3A_86] : memref<16000xi32, #tpu.memory_space<vmem>>[vector<16xi32>], vector<16xi32>,
      %bitcast3A_88 = vector.bitcast %gather3A_87 : vector<16xi32> to vector<32xbf16>
      %gather3A_89 = tpu.vector_load_idx %arg8[%add3A_86] : memref<16000xi32, #tpu.memory_space<vmem>>[vector<16xi32>], vector<16xi32>,
      %bitcast3A_90 = vector.bitcast %gather3A_89 : vector<16xi32> to vector<32xbf16>
      %max3A_91 = arith.maximumf %max3A_69, %bitcast3A_88 : vector<32xbf16>
      %max3A_92 = arith.maximumf %max3A_70, %bitcast3A_90 : vector<32xbf16>
      %broadcast_in_dim3A_93 = arith.constant 6 : i32
      %broadcast_in_dim3A_94 = vector.broadcast %broadcast_in_dim3A_93 : i32 to vector<16x1xi32>
      %gather3A_95 = vector.shape_cast %broadcast_in_dim3A_94 : vector<16x1xi32> to vector<16xi32>
      %gather3A_96 = tpu.dynamic_gather %mul3A_29[%gather3A_95] in [0] : vector<16xi32>, vector<16xi32> -> vector<16xi32>
      %add3A_97 = arith.addi %gather3A_96, %iota3A : vector<16xi32>
      %gather3A_98 = tpu.vector_load_idx %arg7[%add3A_97] : memref<16000xi32, #tpu.memory_space<vmem>>[vector<16xi32>], vector<16xi32>,
      %bitcast3A_99 = vector.bitcast %gather3A_98 : vector<16xi32> to vector<32xbf16>
      %gather3A_100 = tpu.vector_load_idx %arg8[%add3A_97] : memref<16000xi32, #tpu.memory_space<vmem>>[vector<16xi32>], vector<16xi32>,
      %bitcast3A_101 = vector.bitcast %gather3A_100 : vector<16xi32> to vector<32xbf16>
      %max3A_102 = arith.maximumf %max3A_80, %bitcast3A_99 : vector<32xbf16>
      %max3A_103 = arith.maximumf %max3A_81, %bitcast3A_101 : vector<32xbf16>
      %broadcast_in_dim3A_104 = arith.constant 7 : i32
      %broadcast_in_dim3A_105 = vector.broadcast %broadcast_in_dim3A_104 : i32 to vector<16x1xi32>
      %gather3A_106 = vector.shape_cast %broadcast_in_dim3A_105 : vector<16x1xi32> to vector<16xi32>
      %gather3A_107 = tpu.dynamic_gather %mul3A_29[%gather3A_106] in [0] : vector<16xi32>, vector<16xi32> -> vector<16xi32>
      %add3A_108 = arith.addi %gather3A_107, %iota3A : vector<16xi32>
      %gather3A_109 = tpu.vector_load_idx %arg7[%add3A_108] : memref<16000xi32, #tpu.memory_space<vmem>>[vector<16xi32>], vector<16xi32>,
      %bitcast3A_110 = vector.bitcast %gather3A_109 : vector<16xi32> to vector<32xbf16>
      %gather3A_111 = tpu.vector_load_idx %arg8[%add3A_108] : memref<16000xi32, #tpu.memory_space<vmem>>[vector<16xi32>], vector<16xi32>,
      %bitcast3A_112 = vector.bitcast %gather3A_111 : vector<16xi32> to vector<32xbf16>
      %max3A_113 = arith.maximumf %max3A_91, %bitcast3A_110 : vector<32xbf16>
      %max3A_114 = arith.maximumf %max3A_92, %bitcast3A_112 : vector<32xbf16>
      %max3A_115 = arith.maximumf %max3A_102, %max3A_113 : vector<32xbf16>
      %max3A_116 = arith.maximumf %max3A_103, %max3A_114 : vector<32xbf16>
      %bitcast3A_117 = vector.bitcast %max3A_115 : vector<32xbf16> to vector<16xi32>
      %mul3A_118 = arith.constant 32 : i32
      %mul3A_119 = arith.muli %scan3A_14, %mul3A_118 : i32
      %swap3A = arith.index_cast %mul3A_119 : i32 to index
      %swap3A_120 = tpu.vector_load %arg9[%swap3A] {strides = array<i32>} : memref<4096xi32, #tpu.memory_space<vmem>>, vector<16xi32>,
      tpu.vector_store %arg9[%swap3A], %bitcast3A_117 {strides = array<i32>} : memref<4096xi32, #tpu.memory_space<vmem>>, vector<16xi32>,
      %bitcast3A_121 = vector.bitcast %max3A_116 : vector<32xbf16> to vector<16xi32>
      %mul3A_122 = arith.constant 32 : i32
      %mul3A_123 = arith.muli %scan3A_14, %mul3A_122 : i32
      %add3A_124 = arith.constant 16 : i32
      %add3A_125 = arith.addi %mul3A_123, %add3A_124 : i32
      %swap3A_126 = arith.index_cast %add3A_125 : i32 to index
      %swap3A_127 = tpu.vector_load %arg9[%swap3A_126] {strides = array<i32>} : memref<4096xi32, #tpu.memory_space<vmem>>, vector<16xi32>,
      tpu.vector_store %arg9[%swap3A_126], %bitcast3A_121 {strides = array<i32>} : memref<4096xi32, #tpu.memory_space<vmem>>, vector<16xi32>,
      %scan3A_128 = arith.constant 0 : i32
      scf.yield %scan3A_128 : i32
    }
    %scan3A_11 = arith.constant 128 : i32
    %mul3A_12 = arith.constant 32 : i32
    %mul3A_13 = arith.muli %mul3A_2, %mul3A_12 : i32
    "tpu.region"() ({
      %run_scoped3A = tpu.sem_alloc : memref<!tpu.dma_semaphore, #tpu.memory_space<semaphore_mem>>
      %dma_start3A = tpu.memref_slice %arg5[%mul3A_13] : memref<131072xi32, #tpu.memory_space<hbm>> -> memref<4096xi32, #tpu.memory_space<hbm>>
      %dma_start3A_14 = tpu.memref_slice %arg5[%mul3A_13] : memref<131072xi32, #tpu.memory_space<hbm>> -> memref<4096xi32, #tpu.memory_space<hbm>>
      tpu.enqueue_dma source(%arg9 : memref<4096xi32, #tpu.memory_space<vmem>>) target(%dma_start3A_14 : memref<4096xi32, #tpu.memory_space<hbm>>) target_semaphore(%run_scoped3A : memref<!tpu.dma_semaphore, #tpu.memory_space<semaphore_mem>>)
      %dma_wait3A = tpu.memref_slice %arg5[%mul3A_13] : memref<131072xi32, #tpu.memory_space<hbm>> -> memref<4096xi32, #tpu.memory_space<hbm>>
      %dma_wait3A_15 = tpu.memref_slice %arg5[%mul3A_13] : memref<131072xi32, #tpu.memory_space<hbm>> -> memref<4096xi32, #tpu.memory_space<hbm>>
      tpu.wait_dma2 semaphore(%run_scoped3A : memref<!tpu.dma_semaphore, #tpu.memory_space<semaphore_mem>>) src(%arg9 : memref<4096xi32, #tpu.memory_space<vmem>>) dst(%dma_wait3A_15 : memref<4096xi32, #tpu.memory_space<hbm>>)
      tpu.yield
    }) : () -> ()
    return
  }
}

module attributes {stable_mosaic.version = 14 : i64} {
  func.func @_dense_tc(%arg0: i32, %arg1: memref<256x128xi32, #tpu.memory_space<vmem>>, %arg2: memref<128x128xf32, #tpu.memory_space<vmem>>, %arg3: memref<128x128xf32, #tpu.memory_space<vmem>>, %arg4: memref<128x128xf32, #tpu.memory_space<vmem>>, %arg5: memref<1x128xf32, #tpu.memory_space<vmem>>, %arg6: memref<256x128xf32, #tpu.memory_space<vmem>>) attributes {dimension_semantics = [#tpu.dimension_semantics<arbitrary>], iteration_bounds = array<i64: 4>, scalar_prefetch = 0 : i64, scratch_operands = 0 : i64, tpu.core_type = #tpu.core_type<tc>, window_params = [{transform_indices = @transform_0, window_bounds = array<i64: 256, 128>}, {pipeline_mode = #tpu.pipeline_mode<synchronous>, transform_indices = @transform_1, window_bounds = array<i64: 128, 128>}, {pipeline_mode = #tpu.pipeline_mode<synchronous>, transform_indices = @transform_2, window_bounds = array<i64: 128, 128>}, {pipeline_mode = #tpu.pipeline_mode<synchronous>, transform_indices = @transform_3, window_bounds = array<i64: 128, 128>}, {pipeline_mode = #tpu.pipeline_mode<synchronous>, transform_indices = @transform_4, window_bounds = array<i64: 1, 128>}, {transform_indices = @transform_5, window_bounds = array<i64: 256, 128>}]} {
    %get3A = arith.constant 0 : index
    %get3A_0 = arith.constant 0 : index
    %get3A_1 = vector.load %arg1[%get3A, %get3A_0] : memref<256x128xi32, #tpu.memory_space<vmem>>, vector<256x128xi32>
    %shift_left3A = arith.constant 16 : i32
    %shift_left3A_2 = vector.broadcast %shift_left3A : i32 to vector<256x128xi32>
    %shift_left3A_3 = arith.shli %get3A_1, %shift_left3A_2 : vector<256x128xi32>
    %bitcast_convert_type3A = tpu.bitcast %shift_left3A_3 : vector<256x128xi32> -> vector<256x128xf32>
    %and3A = arith.constant -65536 : i32
    %and3A_4 = vector.broadcast %and3A : i32 to vector<256x128xi32>
    %and3A_5 = arith.andi %get3A_1, %and3A_4 : vector<256x128xi32>
    %bitcast_convert_type3A_6 = tpu.bitcast %and3A_5 : vector<256x128xi32> -> vector<256x128xf32>
    %get3A_7 = arith.constant 0 : index
    %get3A_8 = arith.constant 0 : index
    %get3A_9 = vector.load %arg2[%get3A_7, %get3A_8] : memref<128x128xf32, #tpu.memory_space<vmem>>, vector<128x128xf32>
    %dot_general3A = arith.constant dense<0.000000e+00> : vector<256x128xf32>
    %dot_general3A_10 = tpu.matmul %bitcast_convert_type3A, %get3A_9, %dot_general3A {dimension_numbers = #tpu.dot_dimension_numbers<[1], [0], [0], [1], [0, 0, 1, 1], [], []>, transpose_lhs_hint = false} : vector<256x128xf32>, vector<128x128xf32>, vector<256x128xf32> -> vector<256x128xf32>
    %get3A_11 = arith.constant 0 : index
    %get3A_12 = arith.constant 0 : index
    %get3A_13 = vector.load %arg3[%get3A_11, %get3A_12] : memref<128x128xf32, #tpu.memory_space<vmem>>, vector<128x128xf32>
    %dot_general3A_14 = arith.constant dense<0.000000e+00> : vector<256x128xf32>
    %dot_general3A_15 = tpu.matmul %bitcast_convert_type3A_6, %get3A_13, %dot_general3A_14 {dimension_numbers = #tpu.dot_dimension_numbers<[1], [0], [0], [1], [0, 0, 1, 1], [], []>, transpose_lhs_hint = false} : vector<256x128xf32>, vector<128x128xf32>, vector<256x128xf32> -> vector<256x128xf32>
    %add3A = arith.addf %dot_general3A_10, %dot_general3A_15 : vector<256x128xf32>
    %get3A_16 = arith.constant 0 : index
    %get3A_17 = arith.constant 0 : index
    %get3A_18 = vector.load %arg5[%get3A_16, %get3A_17] : memref<1x128xf32, #tpu.memory_space<vmem>>, vector<1x128xf32>
    %add3A_19 = vector.broadcast %get3A_18 : vector<1x128xf32> to vector<256x128xf32>
    %add3A_20 = arith.addf %add3A, %add3A_19 : vector<256x128xf32>
    %exp3A = math.exp %add3A_20 : vector<256x128xf32>
    %get3A_21 = arith.constant 0 : index
    %get3A_22 = arith.constant 0 : index
    %get3A_23 = vector.load %arg4[%get3A_21, %get3A_22] : memref<128x128xf32, #tpu.memory_space<vmem>>, vector<128x128xf32>
    %dot_general3A_24 = arith.constant dense<0.000000e+00> : vector<256x128xf32>
    %dot_general3A_25 = tpu.matmul %exp3A, %get3A_23, %dot_general3A_24 {dimension_numbers = #tpu.dot_dimension_numbers<[1], [0], [0], [1], [0, 0, 1, 1], [], []>, precision = #tpu.contract_precision<fp32>, transpose_lhs_hint = false} : vector<256x128xf32>, vector<128x128xf32>, vector<256x128xf32> -> vector<256x128xf32>
    %div3A = arith.divf %exp3A, %dot_general3A_25 : vector<256x128xf32>
    %swap3A = arith.constant 0 : index
    %swap3A_26 = arith.constant 0 : index
    %swap3A_27 = vector.load %arg6[%swap3A, %swap3A_26] : memref<256x128xf32, #tpu.memory_space<vmem>>, vector<256x128xf32>
    tpu.vector_store %arg6[%swap3A, %swap3A_26], %div3A {strides = array<i32>} : memref<256x128xf32, #tpu.memory_space<vmem>>, vector<256x128xf32>,
    return
  }
  func.func @transform_0(%arg0: i32) -> (i32, i32) {
    %c0_i32 = arith.constant 0 : i32
    %c0_i32_0 = arith.constant 0 : i32
    return %arg0, %c0_i32 : i32, i32
  }
  func.func @transform_1(%arg0: i32) -> (i32, i32) {
    %c0_i32 = arith.constant 0 : i32
    %c0_i32_0 = arith.constant 0 : i32
    %c0_i32_1 = arith.constant 0 : i32
    return %c0_i32, %c0_i32_0 : i32, i32
  }
  func.func @transform_2(%arg0: i32) -> (i32, i32) {
    %c0_i32 = arith.constant 0 : i32
    %c0_i32_0 = arith.constant 0 : i32
    %c0_i32_1 = arith.constant 0 : i32
    return %c0_i32, %c0_i32_0 : i32, i32
  }
  func.func @transform_3(%arg0: i32) -> (i32, i32) {
    %c0_i32 = arith.constant 0 : i32
    %c0_i32_0 = arith.constant 0 : i32
    %c0_i32_1 = arith.constant 0 : i32
    return %c0_i32, %c0_i32_0 : i32, i32
  }
  func.func @transform_4(%arg0: i32) -> (i32, i32) {
    %c0_i32 = arith.constant 0 : i32
    %c0_i32_0 = arith.constant 0 : i32
    %c0_i32_1 = arith.constant 0 : i32
    return %c0_i32, %c0_i32_0 : i32, i32
  }
  func.func @transform_5(%arg0: i32) -> (i32, i32) {
    %c0_i32 = arith.constant 0 : i32
    %c0_i32_0 = arith.constant 0 : i32
    return %arg0, %c0_i32 : i32, i32
  }
}

</mosaic_0001>

<sc_bundles>
// kernel: kernel.4.cloned.1.call-start
scs
__scs_entry_jumppad:
0x0: {  	(pc) =	sbr.rel $0x88, $3  }
0x1: {  	(tag) =	ssettag $0x0;
	lr =	simm.s32 $0x1  }
0x2: {  	[smem:$0x3F9D] =	sst lr;
	_ =	strace $0xD0000000  }
0x3: {  	_ = 	snop  }
0x4: {  	_ = 	snop  }
0x5: {  	_ = 	snop  }
0x6: {  	_ = 	snop  }
0x7: {  	_ = 	snop  }
__scs_overlays_trampoline_lowered:
0x8: {  	[smem:$0x3FAC] =	sst s0  }
0x9: {  	[smem:$0x3FAD] =	sst s1  }
0xa: {  	[smem:$0x3FAE] =	sst s2  }
0xb: {  	[smem:$0x3FAF] =	sst s3  }
0xc: {  	[smem:$0x3FB0] =	sst s4  }
0xd: {  	[smem:$0x3FB1] =	sst s5  }
0xe: {  	[smem:$0x3FB2] =	sst s6  }
0xf: {  	[smem:$0x3FB3] =	sst s7  }
0x10: {  	[smem:$0x3FB4] =	sst s8  }
0x11: {  	[smem:$0x3FB5] =	sst s9;
	s0 =	simm.s32 @!p0 $0x0  }
0x12: {  	s1 =	sld [smem:$0x3F9B];
	s0 =	simm.s32 @p0 $0x1  }
0x13: {  	[smem:$0x3FB6] =	sst s0;
	s0 =	simm.s32 @!p1 $0x0  }
0x14: {  	s2 =	sld [smem:$0x3F9A];
	s0 =	simm.s32 @p1 $0x1  }
0x15: {  	[smem:$0x3FB7] =	sst s0;
	s0 =	simm.s32 @!p2 $0x0  }
0x16: {  	s3 =	sld [smem:$0x3FDB];
	s0 =	simm.s32 @p2 $0x1  }
0x17: {  	s4 =	simm.s32 $0x1BF5;
	[smem:$0x3FB9] =	sst s0  }
0x18: {  	s0 =	sld [smem:$0x3F9C];
	_ =	swait.ge [sflag:s4], $0x0  }
0x19: {  	s7 =	sld [smem:$0x3F9D]  }
0x1a: {  	s8 =	sadd.s32 $0xFFFFE003, lr  }
0x1b: {  	s9 =	sadd.s32 $0xFFFFFEF7, lr;
	s5 =	simm.s32 $0xFFFFFFFF;
	p2 =	slt.u32 s8, $0xFFFFF086  }
0x1c: {  	p1 =	slt.u32 s9, $0xF7A;
	s5 =	simm.s32 @!p2 $0x0  }
0x1d: {  	s5 =	simm.s32 @p1 $0x1;
	p0 =	seq.s32 s7, s2  }
0x1e: {  	s7 =	smul.u32 @!p0 $0xF7A, s2;
	p2 =	seq.s32 @!p0 s5, $0x0  }
0x1f: {  	s9 =	smul.u32 $0xF7A, s1;
	s8 =	simm.s32 @!p0 $0x1BF5;
	p2 =	por !p2, p0  }
0x20: {  	[sflag:s8] =	ssyncset.s32 @!p0 $0xFFFFF086;
	s6 =	sadd.s32 @!p0 s3, s7;
	s7 =	simm.s32 @!p0 $0x108  }
0x21: {  	s3 =	sadd.s32 s3, s9;
	s6 =	sadd.s32 @!p0 $0x88, s6;
	s7 =	simm.s32 @p2 $0x1082  }
0x22: {  	[simem:s7], [sflag:s8] =	dma.local @!p0 [hbm:s6], $0xF7A  }
0x23: {  	s9 =	sor.u32 $0xD0000000, s2;
	s6 =	simm.s32 $0x108;
	_ =	swait.ge @!p0 [sflag:s8], $0x0  }
0x24: {  	s3 =	sadd.s32 $0x88, s3;
	s6 =	simm.s32 @!p1 $0x1082;
	[sflag:s4] =	ssyncset.s32 $0xFFFFF086  }
0x25: {  	[simem:s6], [sflag:s4] =	dma.local [hbm:s3], $0xF7A  }
0x26: {  	[smem:$0x3F9D] =	sst s1;
	(tag) =	ssettag s2;
	_ =	strace s9  }
0x27: {  	s1 =	sld [smem:$0x3FAD]  }
0x28: {  	s2 =	sld [smem:$0x3FAE]  }
0x29: {  	s4 =	sld [smem:$0x3FB0]  }
0x2a: {  	p0 =	seq.s32 s5, $0x0;
	s5 =	sld [smem:$0x3FB1]  }
0x2b: {  	s6 =	sld [smem:$0x3FB2]  }
0x2c: {  	s7 =	sld [smem:$0x3FB3]  }
0x2d: {  	s3 =	simm.s32 $0x108;
	s8 =	sld [smem:$0x3FB4]  }
0x2e: {  	s3 =	simm.s32 @!p0 $0x1082;
	s9 =	sld [smem:$0x3FB5]  }
0x2f: {  	lr =	sadd.s32 s0, s3;
	s0 =	sld [smem:$0x3FAC]  }
0x30: {  	s3 =	sld [smem:$0x3FAF]  }
0x31: {  	[smem:$0x3FB8] =	sst s10  }
0x32: {  	s10 =	sld [smem:$0x3FB6];
	_ =	sdelay $0x3  }
0x33: {  	p0 =	seq.s32 s10, $0x1;
	s10 =	sld [smem:$0x3FB8];
	_ =	sdelay $0x3  }
0x34: {  	[smem:$0x3FB8] =	sst s10  }
0x35: {  	s10 =	sld [smem:$0x3FB7];
	_ =	sdelay $0x3  }
0x36: {  	p1 =	seq.s32 s10, $0x1;
	s10 =	sld [smem:$0x3FB8];
	_ =	sdelay $0x3  }
0x37: {  	[smem:$0x3FB8] =	sst s10  }
0x38: {  	s10 =	sld [smem:$0x3FB9]  }
0x39: {  	_ = 	snop;
	(pc) =	sbr.ind lr, $3  }
0x3a: {  	_ = 	snop  }
0x3b: {  	_ = 	snop  }
0x3c: {  	p2 =	seq.s32 s10, $0x1;
	s10 =	sld [smem:$0x3FB8]  }
0x3d: {  	_ =	shalt  }
0x3e: {  	_ =	shalt  }
0x3f: {  	_ =	shalt  }
0x40: {  	_ =	shalt  }
0x41: {  	_ =	shalt  }
0x42: {  	_ =	shalt  }
0x43: {  	_ =	shalt  }
0x44: {  	_ =	shalt  }
0x45: {  	_ =	shalt  }
0x46: {  	_ =	shalt  }
0x47: {  	_ =	shalt  }
0x48: {  	_ =	shalt  }
0x49: {  	_ =	shalt  }
0x4a: {  	_ =	shalt  }
0x4b: {  	_ =	shalt  }
0x4c: {  	_ =	shalt  }
0x4d: {  	_ =	shalt  }
0x4e: {  	_ =	shalt  }
0x4f: {  	_ =	shalt  }
0x50: {  	_ =	shalt  }
0x51: {  	_ =	shalt  }
0x52: {  	_ =	shalt  }
0x53: {  	_ =	shalt  }
0x54: {  	_ =	shalt  }
0x55: {  	_ =	shalt  }
0x56: {  	_ =	shalt  }
0x57: {  	_ =	shalt  }
0x58: {  	_ =	shalt  }
0x59: {  	_ =	shalt  }
0x5a: {  	_ =	shalt  }
0x5b: {  	_ =	shalt  }
0x5c: {  	_ =	shalt  }
0x5d: {  	_ =	shalt  }
0x5e: {  	_ =	shalt  }
0x5f: {  	_ =	shalt  }
0x60: {  	_ =	shalt  }
0x61: {  	_ =	shalt  }
0x62: {  	_ =	shalt  }
0x63: {  	_ =	shalt  }
0x64: {  	_ =	shalt  }
0x65: {  	_ =	shalt  }
0x66: {  	_ =	shalt  }
0x67: {  	_ =	shalt  }
0x68: {  	_ =	shalt  }
0x69: {  	_ =	shalt  }
0x6a: {  	_ =	shalt  }
0x6b: {  	_ =	shalt  }
0x6c: {  	_ =	shalt  }
0x6d: {  	_ =	shalt  }
0x6e: {  	_ =	shalt  }
0x6f: {  	_ =	shalt  }
0x70: {  	_ =	shalt  }
0x71: {  	_ =	shalt  }
0x72: {  	_ =	shalt  }
0x73: {  	_ =	shalt  }
0x74: {  	_ =	shalt  }
0x75: {  	_ =	shalt  }
0x76: {  	_ =	shalt  }
0x77: {  	_ =	shalt  }
0x78: {  	_ =	shalt  }
0x79: {  	_ =	shalt  }
0x7a: {  	_ =	shalt  }
0x7b: {  	_ =	shalt  }
0x7c: {  	_ =	shalt  }
0x7d: {  	_ =	shalt  }
0x7e: {  	_ =	shalt  }
0x7f: {  	_ =	shalt  }
0x80: {  	_ =	shalt  }
0x81: {  	_ =	shalt  }
0x82: {  	_ =	shalt  }
0x83: {  	_ =	shalt  }
0x84: {  	_ =	shalt  }
0x85: {  	_ =	shalt  }
0x86: {  	_ =	shalt  }
0x87: {  	_ =	shalt  }
.Lfunc_end0:
.L_simem_size_0:
called_computation_lowered:
.L_overlay_start_0:
0x88: {  	s2 =	sld [smem:$0x3FD9]  }
0x89: {  	s3 =	sld [smem:$0x3FFE];
	_ =	sdelay $0x1  }
0x8a: {  	s1 =	srdreg.scid  }
0x8b: {  	s0 =	sand.u32 $0x1, s1  }
0x8c: {  	s17 =	sshll.u32 s0, $0xA;
	s2 =	sadd.s32 s3, s2  }
0x8d: {  	s2 =	sadd.s32 s2, s17  }
0x8e: {  	[smem:$0x3FC4] =	sst s2  }
0x8f: {  	_ = 	snop  }
0x90: {  	s2 =	sld [smem:$0x3FD0];
	(tm) =	ssettm $0x1  }
0x91: {  	s18 =	sld [smem:$0x3FFB];
	_ =	sdelay $0x3  }
0x92: {  	_ =	strace s18  }
0x93: {  	s3 =	sld [smem:$0x3FFC];
	_ =	sdelay $0x3  }
0x94: {  	_ =	strace s3  }
0x95: {  	s3 =	sld [smem:$0x3FFD];
	_ =	sdelay $0x3  }
0x96: {  	_ =	strace s3  }
0x97: {  	_ =	strace $0x8FFFFFFF  }
0x98: {  	s19 =	sld [smem:$0x3FDB];
	_ =	sdelay $0x1  }
0x99: {  	s4 =	simm.s32 $_scs_section_size  }
0x9a: {  	s5 =	simm.s32 $_size__tile_overlayer_lowered;
	s6 =	simm.s32 $_tile_overlayer_lowered  }
0x9b: {  	s22 =	simm.s32 $0x1BFF;
	s21 =	sshll.u32 s6, $0x1;
	s3 =	sadd.s32 s4, s19  }
0x9c: {  	s7 =	simm.s32 $0x0;
	s20 =	sshll.u32 s5, $0x1;
	s5 =	sadd.s32 s21, s3  }
0x9d: {  	[timem:s7], [sflag:s22] =	dma.local [hbm:s5], s20  }
0x9e: {  	_ =	swait.ge [sflag:s22], s20  }
0x9f: {  	s4 =	ssub.s32 $0x0, s20;
	[sflag:s22] =	ssyncset.done $0x0  }
0xa0: {  	[sflag:s22] =	ssyncadd.s32 s4;
	_ =	sdelay $0x1  }
0xa1: {  	s23 =	simm.s32 $0x1B8B  }
0xa2: {  	_ =	swait.ge [sflag:s23], $0x1  }
0xa3: {  	[sflag:s23] =	ssyncset.done $0x0  }
0xa4: {  	s25 =	simm.s32 $0x1B8E;
	s24 =	sld [smem:$0x3FFE];
	[sflag:s23] =	ssyncadd.s32 $0xFFFFFFFF  }
0xa5: {  	s26 =	simm.s32 $execute0_lowered;
	[smem:$0x3FD2] =	sst s25  }
0xa6: {  	s5 =	sshll.u32 s26, $0x1;
	_ =	strace $0x80000046;
	[dreg:$0x1] =	wrdreg $0xFFFFFFFF  }
0xa7: {  	s28 =	simm.s32 $_size_execute0_lowered;
	s3 =	sadd.s32 s3, s5;
	[dreg:$0x0] =	wrdreg $0x0  }
0xa8: {  	s5 =	sshll.u32 s28, $0x1;
	[dreg:$0x2] =	wrdreg s3  }
0xa9: {  	[dreg:$0x3] =	wrdreg s5  }
0xaa: {  	[dreg:$0x4] =	wrdreg $0xC0  }
0xab: {  	_ =	task [dreg:s7], $0x5FFFF  }
0xac: {  	[dreg:$0x1] =	wrdreg $0xFFFFFFFF  }
0xad: {  	[dreg:$0x0] =	wrdreg $0x60  }
0xae: {  	[dreg:$0x2] =	wrdreg s24  }
0xaf: {  	[dreg:$0x3] =	wrdreg s2  }
0xb0: {  	[dreg:$0x4] =	wrdreg $0x9  }
0xb1: {  	_ =	task.clear_ibuf [dreg:s7], $0x5FFFF;
	_ =	strace $0x90000046  }
0xb2: {  	s29 =	simm.s32 $0x9;
	_ =	strace $0x80000048  }
0xb3: {  	_ =	swait.ge [sflag:s29], $0x1  }
0xb4: {  	[sflag:s29] =	ssyncadd.s32 $0xFFFFFFFF  }
0xb5: {  	_ =	strace $0x90000048  }
0xb6: {  	_ =	sfence  }
0xb7: {  	s30 =	sld [smem:$0x0];
	_ =	sdelay $0x2  }
0xb8: {  	s31 =	sshll.u32 s1, $0xD;
	s1 =	sshrl.u32 s1, $0x2  }
0xb9: {  	s3 =	sand.u32 $0x4000, s31;
	s1 =	sadd.s32 s1, s30  }
0xba: {  	s0 =	sor.u32 s3, s0;
	s1 =	sshll.u32 s1, $0x11  }
0xbb: {  	s0 =	sor.u32 s1, s0  }
0xbc: {  	s0 =	sadd.s32 $0x8F2B, s0  }
0xbd: {  	[sflag:s0] =	ssyncadd.remote.s32 $0x1  }
0xbe: {  	_ =	sfence.sel $0xFFFF  }
0xbf: {  	[dreg:$0x0] =	wrdreg $0xFFFFFFFF;
	(pc) =	sbr.abs _section_cstart, $3  }
0xc0: {  	[dreg:$0x1] =	wrdreg $0xFFFFFFFF  }
0xc1: {  	_ =	task.clear_ibuf [dreg:s7], $0x2FFFF;
	_ =	strace $0x9FFFFFFF  }
0xc2: {  	(tm) =	ssettm $0x7FFFFFFF  }
0xc3: {  	_ =	shalt  }
tec
execute0_lowered:
.L_overlay_start_1:
0x0: {  	(tag) =	ssettag $0x1  }
0x1: {  	s5 =	rddreg [dreg:$0x0]  }
0x2: {  	s1 =	srdreg.scid;
	s0 =	stileid.u32  }
0x3: {  	s2 =	rddreg [dreg:$0x1];
	s3 =	simm.s32 $0x0;
	s9 =	simm.s32 $0x1  }
0x4: {  	s10 =	simm.s32 $0xA300;
	s11 =	simm.s32 $0xE180;
	s12 =	simm.s32 $0x0  }
0x5: {  	v0 =	vimm.s32 $0x4;
	v1 =	vimm.s32 $0x0;
	s4 =	sand.u32 $0x1, s1;
	s6 =	sshll.u32 s0, $0x1;
	[smem:$0x7FF] =	sst s3  }
0x6: {  	v2 =	vlaneseq.u32;
	v3 =	vimm.s32 $0x1;
	v4 =	vimm.s32 $0x2;
	s1 =	rddreg [dreg:$0x2];
	s6 =	sor.u32 s4, s6;
	_ =	strace $0x80000047  }
0x7: {  	v5 =	vimm.s32 $0x3;
	v6 =	vimm.s32 $0x5;
	v7 =	vimm.s32 $0x6;
	s8 =	ssub.s32 $0x2, s4;
	s7 =	smul.u32 $0xC80, s6;
	s6 =	sshll.u32 s6, $0x9  }
0x8: {  	v8 =	vimm.s32 $0x7;
	v9 =	vimm.s32 $0x8;
	v10 =	vimm.s32 $0x9;
	s4 =	sadd.s32 $0x19C00, s5;
	s31 =	sshrl.u32 s8, $0x1;
	s6 =	sadd.s32 s6, s5  }
0x9: {  	v11 =	vimm.s32 $0xA;
	v12 =	vimm.s32 $0xB;
	v13 =	vimm.s32 $0xC;
	s8 =	ssub.s32 s8, s31;
	s7 =	sadd.s32 s7, s5;
	s6 =	sadd.s32 $0x1A400, s6  }
0xa: {  	v14 =	vimm.s32 $0xD;
	v15 =	vimm.s32 $0xE;
	v16 =	vimm.s32 $0xF;
	s5 =	sadd.s32 $0xC00, s7;
	s7 =	smax.u32 s8, $0x1;
	s8 =	simm.s32 $0x6480  }
.LBB2_1:
0xb: {  	[tilespmem:s8], [sflag:$0x1] =	stream.linear.gather [hbm4b:s2+s3], $0x3E80, $0x38;
	[tilespmem:$0xF180] =	vst v63  }
0xc: {  	_ =	swait.ge [sflag:s9], $0x3E80  }
0xd: {  	[sflag:s9] =	ssyncset.done $0x0  }
0xe: {  	[sflag:s9] =	ssyncadd.s32 $0xFFFFC180  }
0xf: {  	[tilespmem:s10], [sflag:$0x1] =	stream.linear.gather [hbm4b:s4+s3], $0x3E80, $0x38;
	[tilespmem:$0xF180] =	vst v63  }
0x10: {  	_ =	swait.ge [sflag:s9], $0x3E80  }
0x11: {  	[sflag:s9] =	ssyncset.done $0x0  }
0x12: {  	[sflag:s9] =	ssyncadd.s32 $0xFFFFC180  }
0x13: {  	[tilespmem:s3], [sflag:$0x1] =	stream.linear.gather [hbm4b:s5+s3], $0x6400, $0x38;
	[tilespmem:$0xF180] =	vst v63  }
0x14: {  	_ =	swait.ge [sflag:s9], $0x6400  }
0x15: {  	[sflag:s9] =	ssyncset.done $0x0  }
0x16: {  	s13 =	simm.s32 $0x0;
	s14 =	simm.s32 $0x0;
	[sflag:s9] =	ssyncadd.s32 $0xFFFF9C00  }
.LBB2_2:
0x17: {  	v21 =	vmov s13;
	_ =	sdelay $0x3  }
0x18: {  	s15 =	simm.s32 $0x0  }
0x19: {  	v17 =	vld.idx.msk [tilespmem:v21+s15+$0x0 ss:$0x1], $0xffff;
	_ =	sdelay $0x4  }
0x1a: {  	v29 =	vshll.u32 v17, $0x4  }
0x1b: {  	v17 =	vperm.xlane v29, v12  }
0x1c: {  	v18 =	vperm.xlane v29, v5  }
0x1d: {  	v19 =	vperm.xlane v29, v15;
	v26 =	vadd.s32 v2, v17  }
0x1e: {  	v20 =	vadd.s32 v2, v18  }
0x1f: {  	v24 =	vperm.xlane v29, v4;
	v27 =	vadd.s32 v2, v19  }
0x20: {  	v17 =	vperm.xlane v29, v3;
	v18 =	vperm.xlane v29, v8  }
0x21: {  	v25 =	vperm.xlane v29, v1;
	v30 =	vperm.xlane v29, v0;
	v28 =	vadd.s32 v2, v24  }
0x22: {  	v23 =	vadd.s32 v2, v17;
	v17 =	vperm.xlane v29, v10;
	v19 =	vadd.s32 v2, v18;
	v18 =	vld.idx.msk [tilespmem:v26+s8+$0x0], $0xffff  }
0x23: {  	v38 =	vadd.s32 v2, v25;
	v41 =	vld.idx.msk [tilespmem:v20+s8+$0x0], $0xffff  }
0x24: {  	v33 =	vperm.xlane v29, v9;
	v30 =	vadd.s32 v2, v30;
	v22 =	vadd.s32 v2, v17;
	v17 =	vld.idx.msk [tilespmem:v27+s10+$0x0], $0xffff  }
0x25: {  	v24 =	vld.idx.msk [tilespmem:v20+s10+$0x0], $0xffff  }
0x26: {  	v37 =	vadd.s32 v2, v33;
	v31 =	vld.idx.msk [tilespmem:v28+s8+$0x0], $0xffff  }
0x27: {  	v42 =	vld.idx.msk [tilespmem:v28+s10+$0x0], $0xffff  }
0x28: {  	v45 =	vld.idx.msk [tilespmem:v38+s10+$0x0], $0xffff  }
0x29: {  	v32 =	vperm.xlane v29, v14;
	v34 =	vperm.xlane v29, v11;
	v33 =	vld.idx.msk [tilespmem:v30+s8+$0x0], $0xffff  }
0x2a: {  	v39 =	vperm.xlane v29, v7;
	v40 =	vperm.xlane v29, v13;
	v30 =	vld.idx.msk [tilespmem:v30+s10+$0x0], $0xffff  }
0x2b: {  	v36 =	vperm.xlane v29, v16;
	v28 =	vperm.xlane v29, v6;
	v29 =	vld.idx.msk [tilespmem:v37+s8+$0x0], $0xffff  }
0x2c: {  	v32 =	vadd.s32 v2, v32;
	v44 =	vadd.s32 v2, v39;
	v39 =	vld.idx.msk [tilespmem:v38+s8+$0x0], $0xffff  }
0x2d: {  	v35 =	vld.idx.msk [tilespmem:v23+s8+$0x0], $0xffff  }
0x2e: {  	v46 =	vld.idx.msk [tilespmem:v23+s10+$0x0], $0xffff;
	v43 =	vadd.s32 v2, v28  }
0x2f: {  	v25 =	vld.idx.msk [tilespmem:v19+s8+$0x0], $0xffff  }
0x30: {  	v20 =	vld.idx.msk [tilespmem:v19+s10+$0x0], $0xffff  }
0x31: {  	s31 =	smul.u32 $0x320, s14;
	v28 =	vimm.bf16 $-Inf;
	v23 =	vld.idx.msk [tilespmem:v32+s8+$0x0], $0xffff  }
0x32: {  	v34 =	vadd.s32 v2, v34;
	v19 =	vld.idx.msk [tilespmem:v22+s10+$0x0], $0xffff;
	v45 =	vmax.bf16 v28, v45;
	v47 =	vmax.bf16 v28, v35  }
0x33: {  	s16 =	simm.s32 $0x40;
	s15 =	sshra.s32 s31, $0x2;
	v38 =	vmax.bf16 v28, v46;
	v35 =	vmax.bf16 v45, v42;
	v42 =	vld.idx.msk [tilespmem:v43+s8+$0x0], $0xffff;
	v41 =	vmax.bf16 v47, v41  }
.LBB2_3:
0x34: {  	s17 =	sshra.s32 s16, $0x2;
	p0 =	sne.s32 s16, $0x2C0;
	s16 =	sadd.s32 $0x40, s16;
	v45 =	vld.idx.msk [tilespmem:v26+s10+$0x0], $0xffff  }
0x35: {  	v26 =	vld.idx.msk [tilespmem:v21+s17+$0x0 ss:$0x1], $0xffff  }
0x36: {  	v40 =	vadd.s32 v2, v40;
	v46 =	vld.idx.msk [tilespmem:v44+s8+$0x0], $0xffff  }
0x37: {  	v44 =	vld.idx.msk [tilespmem:v44+s10+$0x0], $0xffff  }
0x38: {  	v43 =	vld.idx.msk [tilespmem:v43+s10+$0x0], $0xffff  }
0x39: {  	v28 =	vmax.bf16 v28, v39;
	v39 =	vmax.bf16 v41, v42;
	v41 =	vld.idx.msk [tilespmem:v34+s8+$0x0], $0xffff  }
0x3a: {  	v24 =	vmax.bf16 v38, v24;
	v36 =	vadd.s32 v2, v36;
	v28 =	vmax.bf16 v28, v31;
	v31 =	vld.idx.msk [tilespmem:v37+s10+$0x0], $0xffff  }
0x3b: {  	v25 =	vmax.bf16 v39, v25;
	v37 =	vshll.u32 v26, $0x4;
	v26 =	vmax.bf16 v28, v33;
	v28 =	vld.idx.msk [tilespmem:v40+s8+$0x0], $0xffff  }
0x3c: {  	v33 =	vperm.xlane v37, v5;
	v38 =	vperm.xlane v37, v12;
	v39 =	vmax.bf16 v26, v46;
	v40 =	vld.idx.msk [tilespmem:v40+s10+$0x0], $0xffff  }
0x3d: {  	v30 =	vmax.bf16 v35, v30;
	v42 =	vperm.xlane v37, v3;
	v46 =	vperm.xlane v37, v15;
	v35 =	vld.idx.msk [tilespmem:v22+s8+$0x0], $0xffff  }
0x3e: {  	v22 =	vperm.xlane v37, v4;
	v33 =	vadd.s32 v2, v33;
	v26 =	vadd.s32 v2, v38;
	v34 =	vld.idx.msk [tilespmem:v34+s10+$0x0], $0xffff  }
0x3f: {  	v47 =	vperm.xlane v37, v10;
	v38 =	vperm.xlane v37, v0;
	v46 =	vadd.s32 v2, v46;
	v32 =	vld.idx.msk [tilespmem:v32+s10+$0x0], $0xffff  }
0x40: {  	v29 =	vmax.bf16 v39, v29;
	v42 =	vadd.s32 v2, v42;
	v48 =	vadd.s32 v2, v22;
	v27 =	vld.idx.msk [tilespmem:v27+s8+$0x0], $0xffff  }
0x41: {  	v39 =	vperm.xlane v37, v8;
	v24 =	vmax.bf16 v24, v43;
	v22 =	vadd.s32 v2, v47;
	v43 =	vld.idx.msk [tilespmem:v36+s8+$0x0], $0xffff  }
0x42: {  	v49 =	vperm.xlane v37, v6;
	v30 =	vmax.bf16 v30, v44;
	v47 =	vperm.xlane v37, v1;
	v44 =	vld.idx.msk [tilespmem:v36+s10+$0x0], $0xffff  }
0x43: {  	v20 =	vmax.bf16 v24, v20;
	v24 =	vmax.bf16 v29, v41;
	v36 =	vadd.s32 v2, v39;
	v39 =	vld.idx.msk [tilespmem:v26+s8+$0x0], $0xffff  }
0x44: {  	v28 =	vmax.bf16 v24, v28;
	v41 =	vadd.s32 v2, v47;
	v25 =	vmax.bf16 v25, v35;
	v47 =	vld.idx.msk [tilespmem:v33+s8+$0x0], $0xffff  }
0x45: {  	v30 =	vmax.bf16 v30, v31;
	v19 =	vmax.bf16 v20, v19;
	v18 =	vmax.bf16 v25, v18;
	v29 =	vld.idx.msk [tilespmem:v46+s10+$0x0], $0xffff  }
0x46: {  	v20 =	vmax.bf16 v30, v34;
	v18 =	vmax.bf16 v18, v23;
	v28 =	vmax.bf16 v28, v27;
	v24 =	vld.idx.msk [tilespmem:v33+s10+$0x0], $0xffff  }
0x47: {  	v23 =	vperm.xlane v37, v14;
	v20 =	vmax.bf16 v20, v40;
	v50 =	vmax.bf16 v18, v43;
	v35 =	vld.idx.msk [tilespmem:v42+s8+$0x0], $0xffff  }
0x48: {  	v30 =	vadd.s32 v2, v38;
	v38 =	vmax.bf16 v20, v17;
	v18 =	vmax.bf16 v19, v45;
	v25 =	vld.idx.msk [tilespmem:v36+s8+$0x0], $0xffff  }
0x49: {  	v45 =	vperm.xlane v37, v7;
	v43 =	vperm.xlane v37, v11;
	v32 =	vmax.bf16 v18, v32;
	v20 =	vld.idx.msk [tilespmem:v36+s10+$0x0], $0xffff  }
0x4a: {  	v40 =	vperm.xlane v37, v13;
	v51 =	vmax.bf16 v32, v44;
	v36 =	vperm.xlane v37, v16;
	v19 =	vld.idx.msk [tilespmem:v22+s10+$0x0], $0xffff  }
0x4b: {  	v27 =	vmovc v46;
	v33 =	vperm.xlane v37, v9;
	v34 =	vadd.s32 v2, v43;
	v18 =	vmov v39;
	v31 =	vld.idx.msk [tilespmem:v48+s8+$0x0], $0xffff  }
0x4c: {  	v32 =	vadd.s32 v2, v23;
	v17 =	vmov v29;
	v46 =	vld.idx.msk [tilespmem:v48+s10+$0x0], $0xffff  }
0x4d: {  	v37 =	vadd.s32 v2, v33;
	v48 =	vld.idx.msk [tilespmem:v41+s10+$0x0], $0xffff  }
0x4e: {  	v42 =	vld.idx.msk [tilespmem:v42+s10+$0x0], $0xffff  }
0x4f: {  	v43 =	vadd.s32 v2, v49;
	v33 =	vld.idx.msk [tilespmem:v30+s8+$0x0], $0xffff  }
.Ltmp0:
0x50: {  	v30 =	vld.idx.msk [tilespmem:v30+s10+$0x0], $0xffff;
	(pc) =	sbr.rel @p0 .LBB2_3-.Ltmp0, $4  }
0x51: {  	v23 =	vld.idx.msk [tilespmem:v32+s8+$0x0], $0xffff  }
0x52: {  	v44 =	vadd.s32 v2, v45;
	v29 =	vld.idx.msk [tilespmem:v37+s8+$0x0], $0xffff  }
0x53: {  	v45 =	vmax.bf16 v50, v35;
	v39 =	vld.idx.msk [tilespmem:v41+s8+$0x0], $0xffff;
	v41 =	vmax.bf16 v38, v48  }
0x54: {  	v38 =	vmax.bf16 v51, v42;
	v35 =	vmax.bf16 v41, v46;
	v41 =	vmax.bf16 v45, v47;
	v42 =	vld.idx.msk [tilespmem:v43+s8+$0x0], $0xffff  }
0x55: {  	_ =	sdelay $0x3  }
0x56: {  	v21 =	vld.idx.msk [tilespmem:v26+s10+$0x0], $0xffff  }
0x57: {  	v63 =	vld.idx.msk [tilespmem:v44+s8+$0x0], $0xffff  }
0x58: {  	v45 =	vld [tilespmem:s15+$0xC0]  }
0x59: {  	v44 =	vld.idx.msk [tilespmem:v44+s10+$0x0], $0xffff  }
0x5a: {  	v43 =	vld.idx.msk [tilespmem:v43+s10+$0x0], $0xffff  }
0x5b: {  	v46 =	vld.idx.msk [tilespmem:v34+s8+$0x0], $0xffff  }
0x5c: {  	v40 =	vadd.s32 v2, v40;
	v37 =	vld.idx.msk [tilespmem:v37+s10+$0x0], $0xffff  }
0x5d: {  	v22 =	vld.idx.msk [tilespmem:v22+s8+$0x0], $0xffff;
	v45 =	vshll.u32 v45, $0x4  }
0x5e: {  	v36 =	vadd.s32 v2, v36;
	v34 =	vld.idx.msk [tilespmem:v34+s10+$0x0], $0xffff;
	v48 =	vperm.xlane v45, v1  }
0x5f: {  	v32 =	vld.idx.msk [tilespmem:v32+s10+$0x0], $0xffff  }
0x60: {  	v27 =	vld.idx.msk [tilespmem:v27+s8+$0x0], $0xffff;
	v49 =	vperm.xlane v45, v3;
	v48 =	vadd.s32 v2, v48  }
0x61: {  	v47 =	vld.idx.msk [tilespmem:v40+s8+$0x0], $0xffff  }
0x62: {  	v40 =	vld.idx.msk [tilespmem:v40+s10+$0x0], $0xffff;
	v50 =	vperm.xlane v45, v4;
	v49 =	vadd.s32 v2, v49  }
0x63: {  	v51 =	vld.idx.msk [tilespmem:v36+s8+$0x0], $0xffff  }
0x64: {  	v36 =	vld.idx.msk [tilespmem:v36+s10+$0x0], $0xffff;
	v52 =	vperm.xlane v45, v5;
	v50 =	vadd.s32 v2, v50  }
0x65: {  	v53 =	vld.idx.msk [tilespmem:v48+s8+$0x0], $0xffff  }
0x66: {  	v54 =	vperm.xlane v45, v0;
	v52 =	vadd.s32 v2, v52;
	v48 =	vld.idx.msk [tilespmem:v48+s10+$0x0], $0xffff  }
0x67: {  	v55 =	vld.idx.msk [tilespmem:v49+s8+$0x0], $0xffff  }
0x68: {  	v60 =	vperm.xlane v45, v7;
	v54 =	vadd.s32 v2, v54;
	v49 =	vld.idx.msk [tilespmem:v49+s10+$0x0], $0xffff  }
0x69: {  	v28 =	vmax.bf16 v28, v39;
	v39 =	vld.idx.msk [tilespmem:v50+s8+$0x0], $0xffff  }
0x6a: {  	v28 =	vmax.bf16 v28, v31;
	v62 =	vperm.xlane v45, v8;
	v61 =	vadd.s32 v2, v60;
	v31 =	vld.idx.msk [tilespmem:v50+s10+$0x0], $0xffff  }
0x6b: {  	v24 =	vmax.bf16 v38, v24;
	v28 =	vmax.bf16 v28, v33;
	v56 =	vperm.xlane v45, v6;
	v33 =	vld.idx.msk [tilespmem:v52+s8+$0x0], $0xffff  }
0x6c: {  	v41 =	vmax.bf16 v41, v42;
	v26 =	vmax.bf16 v28, v63;
	v45 =	vadd.s32 v2, v62;
	v28 =	vld.idx.msk [tilespmem:v52+s10+$0x0], $0xffff  }
0x6d: {  	v30 =	vmax.bf16 v35, v30;
	v25 =	vmax.bf16 v41, v25;
	v50 =	vadd.s32 v2, v56;
	v63 =	vld.idx.msk [tilespmem:v54+s8+$0x0], $0xffff  }
0x6e: {  	v24 =	vmax.bf16 v24, v43;
	v30 =	vmax.bf16 v30, v44;
	v22 =	vmax.bf16 v25, v22;
	v44 =	vld.idx.msk [tilespmem:v54+s10+$0x0], $0xffff  }
0x6f: {  	v20 =	vmax.bf16 v24, v20;
	v26 =	vmax.bf16 v26, v29;
	v18 =	vmax.bf16 v22, v18;
	v59 =	vld.idx.msk [tilespmem:v61+s8+$0x0], $0xffff  }
0x70: {  	v19 =	vmax.bf16 v20, v19;
	v18 =	vmax.bf16 v18, v23;
	v56 =	vmax.bf16 v30, v37;
	v60 =	vld.idx.msk [tilespmem:v61+s10+$0x0], $0xffff  }
0x71: {  	v19 =	vmax.bf16 v19, v21;
	v52 =	vmax.bf16 v26, v46;
	v61 =	vld.idx.msk [tilespmem:v45+s8+$0x0], $0xffff;
	v58 =	vmax.bf16 v56, v34  }
0x72: {  	v19 =	vmax.bf16 v19, v32;
	v24 =	vmax.bf16 v52, v47;
	v20 =	vmax.bf16 v58, v40;
	v54 =	vld.idx.msk [tilespmem:v50+s8+$0x0], $0xffff  }
0x73: {  	v18 =	vmax.bf16 v18, v51;
	v24 =	vmax.bf16 v24, v27;
	v17 =	vmax.bf16 v20, v17;
	v57 =	vld.idx.msk [tilespmem:v50+s10+$0x0], $0xffff  }
0x74: {  	v19 =	vmax.bf16 v19, v36;
	v62 =	vld.idx.msk [tilespmem:v45+s10+$0x0], $0xffff;
	v24 =	vmax.bf16 v24, v53;
	v17 =	vmax.bf16 v17, v48  }
0x75: {  	s31 =	sshll.u32 s14, $0x5;
	s14 =	sadd.s32 $0x1, s14;
	v18 =	vmax.bf16 v18, v55;
	v19 =	vmax.bf16 v19, v49;
	v24 =	vmax.bf16 v24, v39  }
0x76: {  	p0 =	sne.s32 s14, $0x80;
	v17 =	vmax.bf16 v17, v31;
	v18 =	vmax.bf16 v18, v33;
	v19 =	vmax.bf16 v19, v28  }
.Ltmp1:
0x77: {  	v24 =	vmax.bf16 v24, v63;
	v17 =	vmax.bf16 v17, v44;
	v18 =	vmax.bf16 v18, v54;
	(pc) =	sbr.rel @p0 .LBB2_2-.Ltmp1, $4  }
0x78: {  	v63 =	vmax.bf16 v24, v59;
	v19 =	vmax.bf16 v19, v57;
	v18 =	vmax.bf16 v18, v61  }
0x79: {  	s15 =	sand.u32 $0x3FFFFFE0, s31;
	v17 =	vmax.bf16 v17, v60;
	v19 =	vmax.bf16 v19, v62;
	v18 =	vmax.bf16 v63, v18  }
0x7a: {  	v17 =	vmax.bf16 v17, v19;
	[tilespmem:s15+$0xE180] =	vst v18  }
0x7b: {  	s13 =	sadd.s32 $0xC8, s13;
	[tilespmem:s15+$0xE190] =	vst v17  }
0x7c: {  	s12 =	sadd.s32 $0x1, s12  }
0x7d: {  	p0 =	sne.s32 s12, s7  }
.Ltmp2:
0x7e: {  	_ = 	snop;
	(pc) =	sbr.rel @p0 .LBB2_1-.Ltmp2, $4  }
0x7f: {  	[hbm4b:s6+s3] =	stream.linear.scatter [tilespmem:s11], [sflag:$0x1], $0x1000, $0x38;
	[tilespmem:$0xF180] =	vst v63  }
0x80: {  	_ =	swait.ge [sflag:s9], $0x1000  }
0x81: {  	[sflag:s9] =	ssyncset.done $0x0  }
0x82: {  	[sflag:s9] =	ssyncadd.s32 $0xFFFFF000  }
0x83: {  	_ =	sfence.sel $0x180000  }
0x84: {  	[bflag:$0x0] =	sbarrier.arrive $0xFFFF  }
0x85: {  	p0 =	sne.s32 s0, $0x0;
	_ =	strace $0x90000047  }
0x86: {  	s0 =	sadd.s32 @!p0 $0x100000, s1;
	[bflag:$0x2] =	sbarrier.arrive $0xFFFF  }
0x87: {  	[sflag:s0] =	ssyncadd.tile.s32 @!p0 $0x1;
	_ =	shalt  }
.Lfunc_end2:
_tile_overlayer_lowered:
.L_overlay_start_2:
0x88: {  	(tag) =	ssettag $0x2  }
0x89: {  	s0 =	rddreg [dreg:$0x0];
	s2 =	stileid.u32  }
0x8a: {  	s1 =	rddreg [dreg:$0x1];
	p0 =	sne.s32 s2, $0x0  }
0x8b: {  	s3 =	rddreg [dreg:$0x2];
	[bflag:$0x3] =	sbarrier.arrive $0xFFFF;
	s2 =	simm.s32 @!p0 $0x1C01  }
0x8c: {  	[timem:s3], [sflag:s2] =	dma.local @!p0 [hbm:s0], s1  }
0x8d: {  	s0 =	simm.s32 @!p0 $0x1  }
0x8e: {  	_ =	swait.ge @!p0 [sflag:s0], s1  }
0x8f: {  	s1 =	ssub.s32 @!p0 $0x0, s1;
	[sflag:s0] =	ssyncset.done @!p0 $0x0  }
0x90: {  	[sflag:s0] =	ssyncadd.s32 @!p0 s1  }
0x91: {  	[bflag:$0x3] =	sbarrier.arrive $0xFFFF  }
0x92: {  	_ =	shalt  }

</sc_bundles>
